<compile_context>
chip_gen: v7x
topology: tpu7x:2x2x1
jax: 0.10.2.dev20260603
libtpu: 0.0.44.dev20260713+nightly
codegen_flags: <defaults>
</compile_context>

<pallas_src>
import functools

import jax
import jax.numpy as jnp
from jax import lax
from jax.experimental import pallas as pl
from jax.experimental.pallas import tpu as pltpu
from jax.experimental.pallas import tpu_sc as plsc

N = 10000
E = 320000
D_IN = 128
H1 = 32
H2 = 64

NC = 2
NS = 16
NW = NC * NS
NP = 10112
RPS = NP // NS
C = 128
NCH = 80
NBUF = 2
EWP = NCH * C
EP = EWP * NW

W1A = 48



def _mm_a_body(xb, w1l48, w1r, o1, o2):
    xc48 = lax.dot_general(xb[...], w1l48[...], (((1,), (1,)), ((), ())),
                           preferred_element_type=jnp.float32)
    col = lax.broadcasted_iota(jnp.int32, xc48.shape, 1)
    o1[...] = xc48 + jnp.where(col == H1, 1.0, 0.0).astype(jnp.float32)
    o2[...] = lax.dot_general(xb[...], w1r[...], (((1,), (1,)), ((), ())),
                              preferred_element_type=jnp.float32)


def _mm_a(x, w1l48, w1r, bm=5000):
    grid = (N // bm,)
    return pl.pallas_call(
        _mm_a_body,
        grid=grid,
        in_specs=[
            pl.BlockSpec((bm, D_IN), lambda i: (i, 0)),
            pl.BlockSpec((W1A, D_IN), lambda i: (0, 0)),
            pl.BlockSpec((H1, D_IN), lambda i: (0, 0)),
        ],
        out_specs=[
            pl.BlockSpec((bm, W1A), lambda i: (i, 0)),
            pl.BlockSpec((bm, H1), lambda i: (i, 0)),
        ],
        out_shape=[
            jax.ShapeDtypeStruct((N, W1A), jnp.float32),
            jax.ShapeDtypeStruct((N, H1), jnp.float32),
        ],
    )(x, w1l48, w1r)


def _ep1_body(p, xr, b1l, w2l, w2r, o_hp, o_hr):
    s = p[0] + p[1]
    deg = s[:, H1:H1 + 1]
    invd = 1.0 / jnp.maximum(deg, 1.0)
    h = jnp.maximum(s[:, :H1] * invd + b1l[...] + xr[...], 0.0)
    o_hp[...] = lax.dot_general(h, w2l[...], (((1,), (1,)), ((), ())),
                                preferred_element_type=jnp.float32)
    o_hr[...] = lax.dot_general(h, w2r[...], (((1,), (1,)), ((), ())),
                                preferred_element_type=jnp.float32)


def _ep1(p, xr, b1l, w2l, w2r, bm=5000):
    grid = (N // bm,)
    return pl.pallas_call(
        _ep1_body,
        grid=grid,
        in_specs=[
            pl.BlockSpec((NC, bm, W1A), lambda i: (0, i, 0)),
            pl.BlockSpec((bm, H1), lambda i: (i, 0)),
            pl.BlockSpec((1, H1), lambda i: (0, 0)),
            pl.BlockSpec((H2, H1), lambda i: (0, 0)),
            pl.BlockSpec((H2, H1), lambda i: (0, 0)),
        ],
        out_specs=[
            pl.BlockSpec((bm, H2), lambda i: (i, 0)),
            pl.BlockSpec((bm, H2), lambda i: (i, 0)),
        ],
        out_shape=[
            jax.ShapeDtypeStruct((N, H2), jnp.float32),
            jax.ShapeDtypeStruct((N, H2), jnp.float32),
        ],
    )(p, xr, b1l, w2l, w2r)


def _ep2_body(q, p, hr, b2l, o):
    deg = (p[0] + p[1])[:, H1:H1 + 1]
    invd = 1.0 / jnp.maximum(deg, 1.0)
    o[...] = (q[0] + q[1]) * invd + b2l[...] + hr[...]


def _ep2(q, p, hr, b2l, bm=5000):
    grid = (N // bm,)
    return pl.pallas_call(
        _ep2_body,
        grid=grid,
        in_specs=[
            pl.BlockSpec((NC, bm, H2), lambda i: (0, i, 0)),
            pl.BlockSpec((NC, bm, W1A), lambda i: (0, i, 0)),
            pl.BlockSpec((bm, H2), lambda i: (i, 0)),
            pl.BlockSpec((1, H2), lambda i: (0, 0)),
        ],
        out_specs=pl.BlockSpec((bm, H2), lambda i: (i, 0)),
        out_shape=jax.ShapeDtypeStruct((N, H2), jnp.float32),
    )(q, p, hr, b2l)



@functools.lru_cache(maxsize=None)
def _make_sc_scatter(w):
    mesh = plsc.VectorSubcoreMesh(core_axis_name="c", subcore_axis_name="s")

    @functools.partial(
        pl.kernel,
        out_type=jax.ShapeDtypeStruct((NC, NP, w), jnp.float32),
        mesh=mesh,
        compiler_params=pltpu.CompilerParams(use_tc_tiling_on_sc=False),
        scratch_types=[
            pltpu.VMEM((NCH, C), jnp.int32),
            pltpu.VMEM((NCH, C), jnp.int32),
            pltpu.VMEM((NBUF, C, w), jnp.float32),
            pltpu.VMEM((RPS, w), jnp.float32),
            pltpu.VMEM_SHARED((NP, w), jnp.float32),
            [pltpu.SemaphoreType.DMA] * NBUF,
        ],
    )
    def sc_scatter(src_hbm, dst_hbm, table_hbm, zeros_hbm, out_hbm,
                   src_v, dst_v, rows_v, zv, acc, gsems):
        cid = lax.axis_index("c")
        sid = lax.axis_index("s")
        wid = sid * NC + cid
        pltpu.sync_copy(src_hbm.at[wid], src_v)
        pltpu.sync_copy(dst_hbm.at[wid], dst_v)

        def g_start(j, b):
            pltpu.make_async_copy(
                table_hbm.at[src_v.at[j]], rows_v.at[b], gsems[b]).start()

        def g_wait(b):
            pltpu.make_async_copy(
                table_hbm.at[src_v.at[0]], rows_v.at[b], gsems[b]).wait()

        for b in range(NBUF):
            g_start(b, b)
        pltpu.sync_copy(zeros_hbm.at[pl.ds(sid * RPS, RPS)], zv)
        pltpu.sync_copy(zv, acc.at[pl.ds(sid * RPS, RPS)])
        plsc.subcore_barrier()

        def group(i, carry):
            for b in range(NBUF):
                j = NBUF * i + b
                g_wait(b)
                pltpu.sync_copy(rows_v.at[b], acc.at[dst_v.at[j]], add=True)

                @pl.when(j + NBUF < NCH)
                def _():
                    g_start(j + NBUF, b)
            return carry

        lax.fori_loop(0, NCH // NBUF, group, 0)
        plsc.subcore_barrier()
        pltpu.sync_copy(acc.at[pl.ds(sid * RPS, RPS)], zv)
        pltpu.sync_copy(zv, out_hbm.at[cid, pl.ds(sid * RPS, RPS)])

    return sc_scatter



def kernel(x, edge_index, W1l, b1l, W1r, W2l, b2l, W2r):
    ppw = (EP - E) // NW
    ew0 = E // NW
    srcpad = (jnp.arange(NW * ppw, dtype=jnp.int32) % N).reshape(NW, ppw)
    dstpad = (N + jnp.arange(NW * ppw, dtype=jnp.int32) % (NP - N)).reshape(
        NW, ppw).astype(jnp.int32)
    src_r = jnp.concatenate(
        [edge_index[0].reshape(NW, ew0), srcpad], axis=1).reshape(NW, NCH, C)
    dst_r = jnp.concatenate(
        [edge_index[1].reshape(NW, ew0), dstpad], axis=1).reshape(NW, NCH, C)
    w1l48 = jnp.concatenate(
        [W1l, jnp.zeros((W1A - H1, D_IN), jnp.float32)], axis=0)
    z48 = jnp.zeros((NP, W1A), jnp.float32)
    z64 = jnp.zeros((NP, H2), jnp.float32)

    xp_aug, xr = _mm_a(x, w1l48, W1r)
    p = _make_sc_scatter(W1A)(src_r, dst_r, xp_aug, z48)
    hp_l, hr = _ep1(p, xr, b1l.reshape(1, H1), W2l, W2r)
    q = _make_sc_scatter(H2)(src_r, dst_r, hp_l, z64)
    out = _ep2(q, p, hr, b2l.reshape(1, H2))
    return out

# --- scband reference (transcript-rebuilt; emitter-appended) ---
"""Pipeline reference for scband-graph-sage-16716012716699 (READ-ONLY COPY).

The authoritative reference and input builder live on the scoring server;
editing this copy changes nothing except your own understanding.
"""

import jax, jax.numpy as jnp
import numpy as np

N = 10000
E = 320000
D_IN = 128
H1 = 32
H2 = 64


def setup_inputs(seed: int = 0) -> dict:
    key = jax.random.key(seed)
    ks = jax.random.split(key, 9)
    x = jax.random.normal(ks[0], (N, D_IN), dtype=jnp.float32)
    edge_index = jax.random.randint(ks[1], (2, E), 0, N, dtype=jnp.int32)
    # SAGEConv params: out = lin_l(mean_agg(x_j)) + lin_r(x); lin_l has bias, lin_r no bias (PyG default)
    W1l = jax.random.normal(ks[2], (H1, D_IN), dtype=jnp.float32) * (1.0 / np.sqrt(D_IN))
    b1l = jnp.zeros((H1,), dtype=jnp.float32)
    W1r = jax.random.normal(ks[3], (H1, D_IN), dtype=jnp.float32) * (1.0 / np.sqrt(D_IN))
    W2l = jax.random.normal(ks[4], (H2, H1), dtype=jnp.float32) * (1.0 / np.sqrt(H1))
    b2l = jnp.zeros((H2,), dtype=jnp.float32)
    W2r = jax.random.normal(ks[5], (H2, H1), dtype=jnp.float32) * (1.0 / np.sqrt(H1))
    return {"x": x, "edge_index": edge_index, "W1l": W1l, "b1l": b1l, "W1r": W1r, "W2l": W2l, "b2l": b2l, "W2r": W2r}


def _sage_conv(x, edge_index, Wl, bl, Wr):
    src = edge_index[0]
    dst = edge_index[1]
    msgs = jnp.take(x, src, axis=0)  # gather source node features per edge
    agg = jax.ops.segment_sum(msgs, dst, num_segments=N)
    deg = jax.ops.segment_sum(jnp.ones((edge_index.shape[1],), dtype=x.dtype), dst, num_segments=N)
    mean = agg / jnp.clip(deg, 1.0)[:, None]
    return mean @ Wl.T + bl + x @ Wr.T


def reference(x, edge_index, W1l, b1l, W1r, W2l, b2l, W2r):
    h = _sage_conv(x, edge_index, W1l, b1l, W1r)
    h = jax.nn.relu(h)
    out = _sage_conv(h, edge_index, W2l, b2l, W2r)
    return out

if __name__ == "__main__":
    import jax
    _d = setup_inputs()
    print(jax.jit(kernel)(*tuple(_d.values())))

</pallas_src>

<mosaic_0001>
#map = affine_map<(d0, d1) -> (0, 0, 0)>
#map1 = affine_map<(d0, d1) -> (0, 0)>
module attributes {stable_mosaic.version = 14 : i64} {
  func.func @sc_scatter(%arg0: i32, %arg1: i32, %arg2: memref<32x80x128xi32, #tpu.memory_space<hbm>>, %arg3: memref<32x80x128xi32, #tpu.memory_space<hbm>>, %arg4: memref<10000x48xf32, #tpu.memory_space<hbm>>, %arg5: memref<10112x48xf32, #tpu.memory_space<hbm>>, %arg6: memref<2x10112x48xf32, #tpu.memory_space<hbm>>, %arg7: memref<80x128xi32, #tpu.memory_space<vmem>>, %arg8: memref<80x128xi32, #tpu.memory_space<vmem>>, %arg9: memref<2x128x48xf32, #tpu.memory_space<vmem>>, %arg10: memref<632x48xf32, #tpu.memory_space<vmem>>, %arg11: memref<10112x48xf32, #tpu.memory_space<vmem_shared>>, %arg12: memref<!tpu.dma_semaphore, #tpu.memory_space<semaphore_mem>>, %arg13: memref<!tpu.dma_semaphore, #tpu.memory_space<semaphore_mem>>) attributes {dimension_semantics = [#tpu.dimension_semantics<core_parallel>, #tpu.dimension_semantics<subcore_parallel>], iteration_bounds = array<i64: 2, 16>, scalar_prefetch = 0 : i64, scratch_operands = 7 : i64, tpu.core_type = #tpu.core_type<sc_vector_subcore>, window_params = [{transform_indices = #map}, {transform_indices = #map}, {transform_indices = #map1}, {transform_indices = #map1}, {transform_indices = #map}]} {
    %mul3A = arith.constant 2 : i32
    %mul3A_0 = arith.muli %arg1, %mul3A : i32
    %add3A = arith.addi %mul3A_0, %arg0 : i32
    "tpu.region"() ({
      %run_scoped3A = tpu.sem_alloc : memref<!tpu.dma_semaphore, #tpu.memory_space<semaphore_mem>>
      %dma_start3A_38 = arith.constant 0 : i32
      %dma_start3A_39 = arith.constant 0 : i32
      %dma_start3A_40 = tpu.memref_slice %arg2[%add3A, %dma_start3A_38, %dma_start3A_39] : memref<32x80x128xi32, #tpu.memory_space<hbm>> -> memref<1x80x128xi32, #tpu.memory_space<hbm>>
      %dma_start3A_41 = tpu.memref_squeeze %dma_start3A_40 : memref<1x80x128xi32, #tpu.memory_space<hbm>> -> memref<80x128xi32, #tpu.memory_space<hbm>>
      %dma_start3A_42 = arith.constant 0 : i32
      %dma_start3A_43 = arith.constant 0 : i32
      %dma_start3A_44 = tpu.memref_slice %arg2[%add3A, %dma_start3A_42, %dma_start3A_43] : memref<32x80x128xi32, #tpu.memory_space<hbm>> -> memref<1x80x128xi32, #tpu.memory_space<hbm>>
      %dma_start3A_45 = tpu.memref_squeeze %dma_start3A_44 : memref<1x80x128xi32, #tpu.memory_space<hbm>> -> memref<80x128xi32, #tpu.memory_space<hbm>>
      tpu.enqueue_dma source(%dma_start3A_45 : memref<80x128xi32, #tpu.memory_space<hbm>>) target(%arg7 : memref<80x128xi32, #tpu.memory_space<vmem>>) target_semaphore(%run_scoped3A : memref<!tpu.dma_semaphore, #tpu.memory_space<semaphore_mem>>)
      %dma_wait3A = arith.constant 0 : i32
      %dma_wait3A_46 = arith.constant 0 : i32
      %dma_wait3A_47 = tpu.memref_slice %arg2[%add3A, %dma_wait3A, %dma_wait3A_46] : memref<32x80x128xi32, #tpu.memory_space<hbm>> -> memref<1x80x128xi32, #tpu.memory_space<hbm>>
      %dma_wait3A_48 = tpu.memref_squeeze %dma_wait3A_47 : memref<1x80x128xi32, #tpu.memory_space<hbm>> -> memref<80x128xi32, #tpu.memory_space<hbm>>
      %dma_wait3A_49 = arith.constant 0 : i32
      %dma_wait3A_50 = arith.constant 0 : i32
      %dma_wait3A_51 = tpu.memref_slice %arg2[%add3A, %dma_wait3A_49, %dma_wait3A_50] : memref<32x80x128xi32, #tpu.memory_space<hbm>> -> memref<1x80x128xi32, #tpu.memory_space<hbm>>
      %dma_wait3A_52 = tpu.memref_squeeze %dma_wait3A_51 : memref<1x80x128xi32, #tpu.memory_space<hbm>> -> memref<80x128xi32, #tpu.memory_space<hbm>>
      tpu.wait_dma2 semaphore(%run_scoped3A : memref<!tpu.dma_semaphore, #tpu.memory_space<semaphore_mem>>) src(%dma_wait3A_52 : memref<80x128xi32, #tpu.memory_space<hbm>>) dst(%arg7 : memref<80x128xi32, #tpu.memory_space<vmem>>)
      tpu.yield
    }) : () -> ()
    "tpu.region"() ({
      %run_scoped3A = tpu.sem_alloc : memref<!tpu.dma_semaphore, #tpu.memory_space<semaphore_mem>>
      %dma_start3A_38 = arith.constant 0 : i32
      %dma_start3A_39 = arith.constant 0 : i32
      %dma_start3A_40 = tpu.memref_slice %arg3[%add3A, %dma_start3A_38, %dma_start3A_39] : memref<32x80x128xi32, #tpu.memory_space<hbm>> -> memref<1x80x128xi32, #tpu.memory_space<hbm>>
      %dma_start3A_41 = tpu.memref_squeeze %dma_start3A_40 : memref<1x80x128xi32, #tpu.memory_space<hbm>> -> memref<80x128xi32, #tpu.memory_space<hbm>>
      %dma_start3A_42 = arith.constant 0 : i32
      %dma_start3A_43 = arith.constant 0 : i32
      %dma_start3A_44 = tpu.memref_slice %arg3[%add3A, %dma_start3A_42, %dma_start3A_43] : memref<32x80x128xi32, #tpu.memory_space<hbm>> -> memref<1x80x128xi32, #tpu.memory_space<hbm>>
      %dma_start3A_45 = tpu.memref_squeeze %dma_start3A_44 : memref<1x80x128xi32, #tpu.memory_space<hbm>> -> memref<80x128xi32, #tpu.memory_space<hbm>>
      tpu.enqueue_dma source(%dma_start3A_45 : memref<80x128xi32, #tpu.memory_space<hbm>>) target(%arg8 : memref<80x128xi32, #tpu.memory_space<vmem>>) target_semaphore(%run_scoped3A : memref<!tpu.dma_semaphore, #tpu.memory_space<semaphore_mem>>)
      %dma_wait3A = arith.constant 0 : i32
      %dma_wait3A_46 = arith.constant 0 : i32
      %dma_wait3A_47 = tpu.memref_slice %arg3[%add3A, %dma_wait3A, %dma_wait3A_46] : memref<32x80x128xi32, #tpu.memory_space<hbm>> -> memref<1x80x128xi32, #tpu.memory_space<hbm>>
      %dma_wait3A_48 = tpu.memref_squeeze %dma_wait3A_47 : memref<1x80x128xi32, #tpu.memory_space<hbm>> -> memref<80x128xi32, #tpu.memory_space<hbm>>
      %dma_wait3A_49 = arith.constant 0 : i32
      %dma_wait3A_50 = arith.constant 0 : i32
      %dma_wait3A_51 = tpu.memref_slice %arg3[%add3A, %dma_wait3A_49, %dma_wait3A_50] : memref<32x80x128xi32, #tpu.memory_space<hbm>> -> memref<1x80x128xi32, #tpu.memory_space<hbm>>
      %dma_wait3A_52 = tpu.memref_squeeze %dma_wait3A_51 : memref<1x80x128xi32, #tpu.memory_space<hbm>> -> memref<80x128xi32, #tpu.memory_space<hbm>>
      tpu.wait_dma2 semaphore(%run_scoped3A : memref<!tpu.dma_semaphore, #tpu.memory_space<semaphore_mem>>) src(%dma_wait3A_52 : memref<80x128xi32, #tpu.memory_space<hbm>>) dst(%arg8 : memref<80x128xi32, #tpu.memory_space<vmem>>)
      tpu.yield
    }) : () -> ()
    %dma_start3A = arith.constant 0 : i32
    %dma_start3A_1 = arith.constant 0 : i32
    %dma_start3A_2 = arith.constant 0 : i32
    %dma_start3A_3 = arith.constant 0 : i32
    %dma_start3A_4 = tpu.memref_slice %arg9[%dma_start3A_1, %dma_start3A_2, %dma_start3A_3] : memref<2x128x48xf32, #tpu.memory_space<vmem>> -> memref<1x128x48xf32, #tpu.memory_space<vmem>>
    %dma_start3A_5 = tpu.memref_squeeze %dma_start3A_4 : memref<1x128x48xf32, #tpu.memory_space<vmem>> -> memref<128x48xf32, #tpu.memory_space<vmem>>
    %dma_start3A_6 = arith.constant 0 : i32
    %dma_start3A_7 = tpu.memref_slice %arg7[%dma_start3A, %dma_start3A_6] : memref<80x128xi32, #tpu.memory_space<vmem>> -> memref<1x128xi32, #tpu.memory_space<vmem>>
    %dma_start3A_8 = tpu.memref_squeeze %dma_start3A_7 : memref<1x128xi32, #tpu.memory_space<vmem>> -> memref<128xi32, #tpu.memory_space<vmem>>
    %dma_start3A_9 = arith.constant 0 : i32
    %dma_start3A_10 = arith.constant 0 : i32
    %dma_start3A_11 = tpu.memref_slice %arg4[%dma_start3A_9, %dma_start3A_10] : memref<10000x48xf32, #tpu.memory_space<hbm>> -> memref<10000x48xf32, #tpu.memory_space<hbm>>
    tpu.enqueue_indirect_dma source(%dma_start3A_11 : memref<10000x48xf32, #tpu.memory_space<hbm>>) target(%dma_start3A_5 : memref<128x48xf32, #tpu.memory_space<vmem>>) offsets(%dma_start3A_8 : memref<128xi32, #tpu.memory_space<vmem>>) semaphore(%arg12 : memref<!tpu.dma_semaphore, #tpu.memory_space<semaphore_mem>>)
    %dma_start3A_12 = arith.constant 1 : i32
    %dma_start3A_13 = arith.constant 1 : i32
    %dma_start3A_14 = arith.constant 0 : i32
    %dma_start3A_15 = arith.constant 0 : i32
    %dma_start3A_16 = tpu.memref_slice %arg9[%dma_start3A_13, %dma_start3A_14, %dma_start3A_15] : memref<2x128x48xf32, #tpu.memory_space<vmem>> -> memref<1x128x48xf32, #tpu.memory_space<vmem>>
    %dma_start3A_17 = tpu.memref_squeeze %dma_start3A_16 : memref<1x128x48xf32, #tpu.memory_space<vmem>> -> memref<128x48xf32, #tpu.memory_space<vmem>>
    %dma_start3A_18 = arith.constant 0 : i32
    %dma_start3A_19 = tpu.memref_slice %arg7[%dma_start3A_12, %dma_start3A_18] : memref<80x128xi32, #tpu.memory_space<vmem>> -> memref<1x128xi32, #tpu.memory_space<vmem>>
    %dma_start3A_20 = tpu.memref_squeeze %dma_start3A_19 : memref<1x128xi32, #tpu.memory_space<vmem>> -> memref<128xi32, #tpu.memory_space<vmem>>
    %dma_start3A_21 = arith.constant 0 : i32
    %dma_start3A_22 = arith.constant 0 : i32
    %dma_start3A_23 = tpu.memref_slice %arg4[%dma_start3A_21, %dma_start3A_22] : memref<10000x48xf32, #tpu.memory_space<hbm>> -> memref<10000x48xf32, #tpu.memory_space<hbm>>
    tpu.enqueue_indirect_dma source(%dma_start3A_23 : memref<10000x48xf32, #tpu.memory_space<hbm>>) target(%dma_start3A_17 : memref<128x48xf32, #tpu.memory_space<vmem>>) offsets(%dma_start3A_20 : memref<128xi32, #tpu.memory_space<vmem>>) semaphore(%arg13 : memref<!tpu.dma_semaphore, #tpu.memory_space<semaphore_mem>>)
    %mul3A_24 = arith.constant 632 : i32
    %mul3A_25 = arith.muli %arg1, %mul3A_24 : i32
    "tpu.region"() ({
      %run_scoped3A = tpu.sem_alloc : memref<!tpu.dma_semaphore, #tpu.memory_space<semaphore_mem>>
      %dma_start3A_38 = arith.constant 0 : i32
      %dma_start3A_39 = tpu.memref_slice %arg5[%mul3A_25, %dma_start3A_38] : memref<10112x48xf32, #tpu.memory_space<hbm>> -> memref<632x48xf32, #tpu.memory_space<hbm>>
      %dma_start3A_40 = arith.constant 0 : i32
      %dma_start3A_41 = tpu.memref_slice %arg5[%mul3A_25, %dma_start3A_40] : memref<10112x48xf32, #tpu.memory_space<hbm>> -> memref<632x48xf32, #tpu.memory_space<hbm>>
      tpu.enqueue_dma source(%dma_start3A_41 : memref<632x48xf32, #tpu.memory_space<hbm>>) target(%arg10 : memref<632x48xf32, #tpu.memory_space<vmem>>) target_semaphore(%run_scoped3A : memref<!tpu.dma_semaphore, #tpu.memory_space<semaphore_mem>>)
      %dma_wait3A = arith.constant 0 : i32
      %dma_wait3A_42 = tpu.memref_slice %arg5[%mul3A_25, %dma_wait3A] : memref<10112x48xf32, #tpu.memory_space<hbm>> -> memref<632x48xf32, #tpu.memory_space<hbm>>
      %dma_wait3A_43 = arith.constant 0 : i32
      %dma_wait3A_44 = tpu.memref_slice %arg5[%mul3A_25, %dma_wait3A_43] : memref<10112x48xf32, #tpu.memory_space<hbm>> -> memref<632x48xf32, #tpu.memory_space<hbm>>
      tpu.wait_dma2 semaphore(%run_scoped3A : memref<!tpu.dma_semaphore, #tpu.memory_space<semaphore_mem>>) src(%dma_wait3A_44 : memref<632x48xf32, #tpu.memory_space<hbm>>) dst(%arg10 : memref<632x48xf32, #tpu.memory_space<vmem>>)
      tpu.yield
    }) : () -> ()
    %mul3A_26 = arith.constant 632 : i32
    %mul3A_27 = arith.muli %arg1, %mul3A_26 : i32
    "tpu.region"() ({
      %run_scoped3A = tpu.sem_alloc : memref<!tpu.dma_semaphore, #tpu.memory_space<semaphore_mem>>
      %dma_start3A_38 = arith.constant 0 : i32
      %dma_start3A_39 = tpu.memref_slice %arg11[%mul3A_27, %dma_start3A_38] : memref<10112x48xf32, #tpu.memory_space<vmem_shared>> -> memref<632x48xf32, #tpu.memory_space<vmem_shared>>
      %dma_start3A_40 = arith.constant 0 : i32
      %dma_start3A_41 = tpu.memref_slice %arg11[%mul3A_27, %dma_start3A_40] : memref<10112x48xf32, #tpu.memory_space<vmem_shared>> -> memref<632x48xf32, #tpu.memory_space<vmem_shared>>
      tpu.enqueue_dma source(%arg10 : memref<632x48xf32, #tpu.memory_space<vmem>>) target(%dma_start3A_41 : memref<632x48xf32, #tpu.memory_space<vmem_shared>>) target_semaphore(%run_scoped3A : memref<!tpu.dma_semaphore, #tpu.memory_space<semaphore_mem>>)
      %dma_wait3A = arith.constant 0 : i32
      %dma_wait3A_42 = tpu.memref_slice %arg11[%mul3A_27, %dma_wait3A] : memref<10112x48xf32, #tpu.memory_space<vmem_shared>> -> memref<632x48xf32, #tpu.memory_space<vmem_shared>>
      %dma_wait3A_43 = arith.constant 0 : i32
      %dma_wait3A_44 = tpu.memref_slice %arg11[%mul3A_27, %dma_wait3A_43] : memref<10112x48xf32, #tpu.memory_space<vmem_shared>> -> memref<632x48xf32, #tpu.memory_space<vmem_shared>>
      tpu.wait_dma2 semaphore(%run_scoped3A : memref<!tpu.dma_semaphore, #tpu.memory_space<semaphore_mem>>) src(%arg10 : memref<632x48xf32, #tpu.memory_space<vmem>>) dst(%dma_wait3A_44 : memref<632x48xf32, #tpu.memory_space<vmem_shared>>)
      tpu.yield
    }) : () -> ()
    %barrier3A = arith.constant 0 : index
    tpu.barrier barrier_id(%barrier3A)
    %scan3A = arith.constant 0 : i32
    %scan3A_28 = arith.constant 0 : i32
    %scan3A_29 = arith.constant 40 : i32
    %scan3A_30 = arith.addi %scan3A_28, %scan3A_29 : i32
    %scan3A_31 = arith.constant 1 : i32
    scf.for %scan3A_38 = %scan3A_28 to %scan3A_30 step %scan3A_31  : i32 {
      %mul3A_39 = arith.constant 2 : i32
      %mul3A_40 = arith.muli %mul3A_39, %scan3A_38 : i32
      %add3A_41 = arith.constant 0 : i32
      %add3A_42 = arith.addi %mul3A_40, %add3A_41 : i32
      %dma_wait3A = arith.constant 0 : i32
      %dma_wait3A_43 = arith.constant 0 : i32
      %dma_wait3A_44 = arith.constant 0 : i32
      %dma_wait3A_45 = arith.constant 0 : i32
      %dma_wait3A_46 = tpu.memref_slice %arg9[%dma_wait3A_43, %dma_wait3A_44, %dma_wait3A_45] : memref<2x128x48xf32, #tpu.memory_space<vmem>> -> memref<1x128x48xf32, #tpu.memory_space<vmem>>
      %dma_wait3A_47 = tpu.memref_squeeze %dma_wait3A_46 : memref<1x128x48xf32, #tpu.memory_space<vmem>> -> memref<128x48xf32, #tpu.memory_space<vmem>>
      %dma_wait3A_48 = arith.constant 0 : i32
      %dma_wait3A_49 = tpu.memref_slice %arg7[%dma_wait3A, %dma_wait3A_48] : memref<80x128xi32, #tpu.memory_space<vmem>> -> memref<1x128xi32, #tpu.memory_space<vmem>>
      %dma_wait3A_50 = tpu.memref_squeeze %dma_wait3A_49 : memref<1x128xi32, #tpu.memory_space<vmem>> -> memref<128xi32, #tpu.memory_space<vmem>>
      %dma_wait3A_51 = arith.constant 0 : i32
      %dma_wait3A_52 = arith.constant 0 : i32
      %dma_wait3A_53 = tpu.memref_slice %arg4[%dma_wait3A_51, %dma_wait3A_52] : memref<10000x48xf32, #tpu.memory_space<hbm>> -> memref<10000x48xf32, #tpu.memory_space<hbm>>
      tpu.wait_indirect_dma semaphore(%arg12 : memref<!tpu.dma_semaphore, #tpu.memory_space<semaphore_mem>>) src(%dma_wait3A_53 : memref<10000x48xf32, #tpu.memory_space<hbm>>) dst(%dma_wait3A_47 : memref<128x48xf32, #tpu.memory_space<vmem>>)
      %run_scoped3A = arith.constant 0 : i32
      "tpu.region"() ({
        %run_scoped3A_82 = tpu.sem_alloc : memref<!tpu.dma_semaphore, #tpu.memory_space<semaphore_mem>>
        %dma_start3A_83 = arith.constant 0 : i32
        %dma_start3A_84 = arith.constant 0 : i32
        %dma_start3A_85 = tpu.memref_slice %arg9[%run_scoped3A, %dma_start3A_83, %dma_start3A_84] : memref<2x128x48xf32, #tpu.memory_space<vmem>> -> memref<1x128x48xf32, #tpu.memory_space<vmem>>
        %dma_start3A_86 = tpu.memref_squeeze %dma_start3A_85 : memref<1x128x48xf32, #tpu.memory_space<vmem>> -> memref<128x48xf32, #tpu.memory_space<vmem>>
        %dma_start3A_87 = arith.constant 0 : i32
        %dma_start3A_88 = tpu.memref_slice %arg8[%add3A_42, %dma_start3A_87] : memref<80x128xi32, #tpu.memory_space<vmem>> -> memref<1x128xi32, #tpu.memory_space<vmem>>
        %dma_start3A_89 = tpu.memref_squeeze %dma_start3A_88 : memref<1x128xi32, #tpu.memory_space<vmem>> -> memref<128xi32, #tpu.memory_space<vmem>>
        %dma_start3A_90 = arith.constant 0 : i32
        %dma_start3A_91 = arith.constant 0 : i32
        %dma_start3A_92 = tpu.memref_slice %arg11[%dma_start3A_90, %dma_start3A_91] : memref<10112x48xf32, #tpu.memory_space<vmem_shared>> -> memref<10112x48xf32, #tpu.memory_space<vmem_shared>>
        tpu.enqueue_indirect_dma source(%dma_start3A_86 : memref<128x48xf32, #tpu.memory_space<vmem>>) target(%dma_start3A_92 : memref<10112x48xf32, #tpu.memory_space<vmem_shared>>) offsets(%dma_start3A_89 : memref<128xi32, #tpu.memory_space<vmem>>) semaphore(%run_scoped3A_82 : memref<!tpu.dma_semaphore, #tpu.memory_space<semaphore_mem>>) {add = true}
        %dma_wait3A_93 = arith.constant 0 : i32
        %dma_wait3A_94 = arith.constant 0 : i32
        %dma_wait3A_95 = tpu.memref_slice %arg9[%run_scoped3A, %dma_wait3A_93, %dma_wait3A_94] : memref<2x128x48xf32, #tpu.memory_space<vmem>> -> memref<1x128x48xf32, #tpu.memory_space<vmem>>
        %dma_wait3A_96 = tpu.memref_squeeze %dma_wait3A_95 : memref<1x128x48xf32, #tpu.memory_space<vmem>> -> memref<128x48xf32, #tpu.memory_space<vmem>>
        %dma_wait3A_97 = arith.constant 0 : i32
        %dma_wait3A_98 = tpu.memref_slice %arg8[%add3A_42, %dma_wait3A_97] : memref<80x128xi32, #tpu.memory_space<vmem>> -> memref<1x128xi32, #tpu.memory_space<vmem>>
        %dma_wait3A_99 = tpu.memref_squeeze %dma_wait3A_98 : memref<1x128xi32, #tpu.memory_space<vmem>> -> memref<128xi32, #tpu.memory_space<vmem>>
        %dma_wait3A_100 = arith.constant 0 : i32
        %dma_wait3A_101 = arith.constant 0 : i32
        %dma_wait3A_102 = tpu.memref_slice %arg11[%dma_wait3A_100, %dma_wait3A_101] : memref<10112x48xf32, #tpu.memory_space<vmem_shared>> -> memref<10112x48xf32, #tpu.memory_space<vmem_shared>>
        tpu.wait_indirect_dma semaphore(%run_scoped3A_82 : memref<!tpu.dma_semaphore, #tpu.memory_space<semaphore_mem>>) src(%dma_wait3A_96 : memref<128x48xf32, #tpu.memory_space<vmem>>) dst(%dma_wait3A_102 : memref<10112x48xf32, #tpu.memory_space<vmem_shared>>)
        tpu.yield
      }) : () -> ()
      %add3A_54 = arith.constant 2 : i32
      %add3A_55 = arith.addi %add3A_42, %add3A_54 : i32
      %lt3A = arith.constant 80 : i32
      %lt3A_56 = arith.cmpi slt, %add3A_55, %lt3A : i32
      %convert_element_type3A = arith.extui %lt3A_56 : i1 to i32
      %cond3A = arith.constant 0 : i32
      %cond3A_57 = arith.cmpi ne, %convert_element_type3A, %cond3A : i32
      scf.if %cond3A_57 {
        %add3A_82 = arith.constant 2 : i32
        %add3A_83 = arith.addi %add3A_42, %add3A_82 : i32
        %dma_start3A_84 = arith.constant 0 : i32
        %dma_start3A_85 = arith.constant 0 : i32
        %dma_start3A_86 = arith.constant 0 : i32
        %dma_start3A_87 = tpu.memref_slice %arg9[%dma_start3A_84, %dma_start3A_85, %dma_start3A_86] : memref<2x128x48xf32, #tpu.memory_space<vmem>> -> memref<1x128x48xf32, #tpu.memory_space<vmem>>
        %dma_start3A_88 = tpu.memref_squeeze %dma_start3A_87 : memref<1x128x48xf32, #tpu.memory_space<vmem>> -> memref<128x48xf32, #tpu.memory_space<vmem>>
        %dma_start3A_89 = arith.constant 0 : i32
        %dma_start3A_90 = tpu.memref_slice %arg7[%add3A_83, %dma_start3A_89] : memref<80x128xi32, #tpu.memory_space<vmem>> -> memref<1x128xi32, #tpu.memory_space<vmem>>
        %dma_start3A_91 = tpu.memref_squeeze %dma_start3A_90 : memref<1x128xi32, #tpu.memory_space<vmem>> -> memref<128xi32, #tpu.memory_space<vmem>>
        %dma_start3A_92 = arith.constant 0 : i32
        %dma_start3A_93 = arith.constant 0 : i32
        %dma_start3A_94 = tpu.memref_slice %arg4[%dma_start3A_92, %dma_start3A_93] : memref<10000x48xf32, #tpu.memory_space<hbm>> -> memref<10000x48xf32, #tpu.memory_space<hbm>>
        tpu.enqueue_indirect_dma source(%dma_start3A_94 : memref<10000x48xf32, #tpu.memory_space<hbm>>) target(%dma_start3A_88 : memref<128x48xf32, #tpu.memory_space<vmem>>) offsets(%dma_start3A_91 : memref<128xi32, #tpu.memory_space<vmem>>) semaphore(%arg12 : memref<!tpu.dma_semaphore, #tpu.memory_space<semaphore_mem>>)
      } else {
      }
      %mul3A_58 = arith.constant 2 : i32
      %mul3A_59 = arith.muli %mul3A_58, %scan3A_38 : i32
      %add3A_60 = arith.constant 1 : i32
      %add3A_61 = arith.addi %mul3A_59, %add3A_60 : i32
      %dma_wait3A_62 = arith.constant 0 : i32
      %dma_wait3A_63 = arith.constant 1 : i32
      %dma_wait3A_64 = arith.constant 0 : i32
      %dma_wait3A_65 = arith.constant 0 : i32
      %dma_wait3A_66 = tpu.memref_slice %arg9[%dma_wait3A_63, %dma_wait3A_64, %dma_wait3A_65] : memref<2x128x48xf32, #tpu.memory_space<vmem>> -> memref<1x128x48xf32, #tpu.memory_space<vmem>>
      %dma_wait3A_67 = tpu.memref_squeeze %dma_wait3A_66 : memref<1x128x48xf32, #tpu.memory_space<vmem>> -> memref<128x48xf32, #tpu.memory_space<vmem>>
      %dma_wait3A_68 = arith.constant 0 : i32
      %dma_wait3A_69 = tpu.memref_slice %arg7[%dma_wait3A_62, %dma_wait3A_68] : memref<80x128xi32, #tpu.memory_space<vmem>> -> memref<1x128xi32, #tpu.memory_space<vmem>>
      %dma_wait3A_70 = tpu.memref_squeeze %dma_wait3A_69 : memref<1x128xi32, #tpu.memory_space<vmem>> -> memref<128xi32, #tpu.memory_space<vmem>>
      %dma_wait3A_71 = arith.constant 0 : i32
      %dma_wait3A_72 = arith.constant 0 : i32
      %dma_wait3A_73 = tpu.memref_slice %arg4[%dma_wait3A_71, %dma_wait3A_72] : memref<10000x48xf32, #tpu.memory_space<hbm>> -> memref<10000x48xf32, #tpu.memory_space<hbm>>
      tpu.wait_indirect_dma semaphore(%arg13 : memref<!tpu.dma_semaphore, #tpu.memory_space<semaphore_mem>>) src(%dma_wait3A_73 : memref<10000x48xf32, #tpu.memory_space<hbm>>) dst(%dma_wait3A_67 : memref<128x48xf32, #tpu.memory_space<vmem>>)
      %run_scoped3A_74 = arith.constant 1 : i32
      "tpu.region"() ({
        %run_scoped3A_82 = tpu.sem_alloc : memref<!tpu.dma_semaphore, #tpu.memory_space<semaphore_mem>>
        %dma_start3A_83 = arith.constant 0 : i32
        %dma_start3A_84 = arith.constant 0 : i32
        %dma_start3A_85 = tpu.memref_slice %arg9[%run_scoped3A_74, %dma_start3A_83, %dma_start3A_84] : memref<2x128x48xf32, #tpu.memory_space<vmem>> -> memref<1x128x48xf32, #tpu.memory_space<vmem>>
        %dma_start3A_86 = tpu.memref_squeeze %dma_start3A_85 : memref<1x128x48xf32, #tpu.memory_space<vmem>> -> memref<128x48xf32, #tpu.memory_space<vmem>>
        %dma_start3A_87 = arith.constant 0 : i32
        %dma_start3A_88 = tpu.memref_slice %arg8[%add3A_61, %dma_start3A_87] : memref<80x128xi32, #tpu.memory_space<vmem>> -> memref<1x128xi32, #tpu.memory_space<vmem>>
        %dma_start3A_89 = tpu.memref_squeeze %dma_start3A_88 : memref<1x128xi32, #tpu.memory_space<vmem>> -> memref<128xi32, #tpu.memory_space<vmem>>
        %dma_start3A_90 = arith.constant 0 : i32
        %dma_start3A_91 = arith.constant 0 : i32
        %dma_start3A_92 = tpu.memref_slice %arg11[%dma_start3A_90, %dma_start3A_91] : memref<10112x48xf32, #tpu.memory_space<vmem_shared>> -> memref<10112x48xf32, #tpu.memory_space<vmem_shared>>
        tpu.enqueue_indirect_dma source(%dma_start3A_86 : memref<128x48xf32, #tpu.memory_space<vmem>>) target(%dma_start3A_92 : memref<10112x48xf32, #tpu.memory_space<vmem_shared>>) offsets(%dma_start3A_89 : memref<128xi32, #tpu.memory_space<vmem>>) semaphore(%run_scoped3A_82 : memref<!tpu.dma_semaphore, #tpu.memory_space<semaphore_mem>>) {add = true}
        %dma_wait3A_93 = arith.constant 0 : i32
        %dma_wait3A_94 = arith.constant 0 : i32
        %dma_wait3A_95 = tpu.memref_slice %arg9[%run_scoped3A_74, %dma_wait3A_93, %dma_wait3A_94] : memref<2x128x48xf32, #tpu.memory_space<vmem>> -> memref<1x128x48xf32, #tpu.memory_space<vmem>>
        %dma_wait3A_96 = tpu.memref_squeeze %dma_wait3A_95 : memref<1x128x48xf32, #tpu.memory_space<vmem>> -> memref<128x48xf32, #tpu.memory_space<vmem>>
        %dma_wait3A_97 = arith.constant 0 : i32
        %dma_wait3A_98 = tpu.memref_slice %arg8[%add3A_61, %dma_wait3A_97] : memref<80x128xi32, #tpu.memory_space<vmem>> -> memref<1x128xi32, #tpu.memory_space<vmem>>
        %dma_wait3A_99 = tpu.memref_squeeze %dma_wait3A_98 : memref<1x128xi32, #tpu.memory_space<vmem>> -> memref<128xi32, #tpu.memory_space<vmem>>
        %dma_wait3A_100 = arith.constant 0 : i32
        %dma_wait3A_101 = arith.constant 0 : i32
        %dma_wait3A_102 = tpu.memref_slice %arg11[%dma_wait3A_100, %dma_wait3A_101] : memref<10112x48xf32, #tpu.memory_space<vmem_shared>> -> memref<10112x48xf32, #tpu.memory_space<vmem_shared>>
        tpu.wait_indirect_dma semaphore(%run_scoped3A_82 : memref<!tpu.dma_semaphore, #tpu.memory_space<semaphore_mem>>) src(%dma_wait3A_96 : memref<128x48xf32, #tpu.memory_space<vmem>>) dst(%dma_wait3A_102 : memref<10112x48xf32, #tpu.memory_space<vmem_shared>>)
        tpu.yield
      }) : () -> ()
      %add3A_75 = arith.constant 2 : i32
      %add3A_76 = arith.addi %add3A_61, %add3A_75 : i32
      %lt3A_77 = arith.constant 80 : i32
      %lt3A_78 = arith.cmpi slt, %add3A_76, %lt3A_77 : i32
      %convert_element_type3A_79 = arith.extui %lt3A_78 : i1 to i32
      %cond3A_80 = arith.constant 0 : i32
      %cond3A_81 = arith.cmpi ne, %convert_element_type3A_79, %cond3A_80 : i32
      scf.if %cond3A_81 {
        %add3A_82 = arith.constant 2 : i32
        %add3A_83 = arith.addi %add3A_61, %add3A_82 : i32
        %dma_start3A_84 = arith.constant 1 : i32
        %dma_start3A_85 = arith.constant 0 : i32
        %dma_start3A_86 = arith.constant 0 : i32
        %dma_start3A_87 = tpu.memref_slice %arg9[%dma_start3A_84, %dma_start3A_85, %dma_start3A_86] : memref<2x128x48xf32, #tpu.memory_space<vmem>> -> memref<1x128x48xf32, #tpu.memory_space<vmem>>
        %dma_start3A_88 = tpu.memref_squeeze %dma_start3A_87 : memref<1x128x48xf32, #tpu.memory_space<vmem>> -> memref<128x48xf32, #tpu.memory_space<vmem>>
        %dma_start3A_89 = arith.constant 0 : i32
        %dma_start3A_90 = tpu.memref_slice %arg7[%add3A_83, %dma_start3A_89] : memref<80x128xi32, #tpu.memory_space<vmem>> -> memref<1x128xi32, #tpu.memory_space<vmem>>
        %dma_start3A_91 = tpu.memref_squeeze %dma_start3A_90 : memref<1x128xi32, #tpu.memory_space<vmem>> -> memref<128xi32, #tpu.memory_space<vmem>>
        %dma_start3A_92 = arith.constant 0 : i32
        %dma_start3A_93 = arith.constant 0 : i32
        %dma_start3A_94 = tpu.memref_slice %arg4[%dma_start3A_92, %dma_start3A_93] : memref<10000x48xf32, #tpu.memory_space<hbm>> -> memref<10000x48xf32, #tpu.memory_space<hbm>>
        tpu.enqueue_indirect_dma source(%dma_start3A_94 : memref<10000x48xf32, #tpu.memory_space<hbm>>) target(%dma_start3A_88 : memref<128x48xf32, #tpu.memory_space<vmem>>) offsets(%dma_start3A_91 : memref<128xi32, #tpu.memory_space<vmem>>) semaphore(%arg13 : memref<!tpu.dma_semaphore, #tpu.memory_space<semaphore_mem>>)
      } else {
      }
    }
    %scan3A_32 = arith.constant 40 : i32
    %barrier3A_33 = arith.constant 0 : index
    tpu.barrier barrier_id(%barrier3A_33)
    %mul3A_34 = arith.constant 632 : i32
    %mul3A_35 = arith.muli %arg1, %mul3A_34 : i32
    "tpu.region"() ({
      %run_scoped3A = tpu.sem_alloc : memref<!tpu.dma_semaphore, #tpu.memory_space<semaphore_mem>>
      %dma_start3A_38 = arith.constant 0 : i32
      %dma_start3A_39 = tpu.memref_slice %arg11[%mul3A_35, %dma_start3A_38] : memref<10112x48xf32, #tpu.memory_space<vmem_shared>> -> memref<632x48xf32, #tpu.memory_space<vmem_shared>>
      %dma_start3A_40 = arith.constant 0 : i32
      %dma_start3A_41 = tpu.memref_slice %arg11[%mul3A_35, %dma_start3A_40] : memref<10112x48xf32, #tpu.memory_space<vmem_shared>> -> memref<632x48xf32, #tpu.memory_space<vmem_shared>>
      tpu.enqueue_dma source(%dma_start3A_41 : memref<632x48xf32, #tpu.memory_space<vmem_shared>>) target(%arg10 : memref<632x48xf32, #tpu.memory_space<vmem>>) target_semaphore(%run_scoped3A : memref<!tpu.dma_semaphore, #tpu.memory_space<semaphore_mem>>)
      %dma_wait3A = arith.constant 0 : i32
      %dma_wait3A_42 = tpu.memref_slice %arg11[%mul3A_35, %dma_wait3A] : memref<10112x48xf32, #tpu.memory_space<vmem_shared>> -> memref<632x48xf32, #tpu.memory_space<vmem_shared>>
      %dma_wait3A_43 = arith.constant 0 : i32
      %dma_wait3A_44 = tpu.memref_slice %arg11[%mul3A_35, %dma_wait3A_43] : memref<10112x48xf32, #tpu.memory_space<vmem_shared>> -> memref<632x48xf32, #tpu.memory_space<vmem_shared>>
      tpu.wait_dma2 semaphore(%run_scoped3A : memref<!tpu.dma_semaphore, #tpu.memory_space<semaphore_mem>>) src(%dma_wait3A_44 : memref<632x48xf32, #tpu.memory_space<vmem_shared>>) dst(%arg10 : memref<632x48xf32, #tpu.memory_space<vmem>>)
      tpu.yield
    }) : () -> ()
    %mul3A_36 = arith.constant 632 : i32
    %mul3A_37 = arith.muli %arg1, %mul3A_36 : i32
    "tpu.region"() ({
      %run_scoped3A = tpu.sem_alloc : memref<!tpu.dma_semaphore, #tpu.memory_space<semaphore_mem>>
      %dma_start3A_38 = arith.constant 0 : i32
      %dma_start3A_39 = tpu.memref_slice %arg6[%arg0, %mul3A_37, %dma_start3A_38] : memref<2x10112x48xf32, #tpu.memory_space<hbm>> -> memref<1x632x48xf32, #tpu.memory_space<hbm>>
      %dma_start3A_40 = tpu.memref_squeeze %dma_start3A_39 : memref<1x632x48xf32, #tpu.memory_space<hbm>> -> memref<632x48xf32, #tpu.memory_space<hbm>>
      %dma_start3A_41 = arith.constant 0 : i32
      %dma_start3A_42 = tpu.memref_slice %arg6[%arg0, %mul3A_37, %dma_start3A_41] : memref<2x10112x48xf32, #tpu.memory_space<hbm>> -> memref<1x632x48xf32, #tpu.memory_space<hbm>>
      %dma_start3A_43 = tpu.memref_squeeze %dma_start3A_42 : memref<1x632x48xf32, #tpu.memory_space<hbm>> -> memref<632x48xf32, #tpu.memory_space<hbm>>
      tpu.enqueue_dma source(%arg10 : memref<632x48xf32, #tpu.memory_space<vmem>>) target(%dma_start3A_43 : memref<632x48xf32, #tpu.memory_space<hbm>>) target_semaphore(%run_scoped3A : memref<!tpu.dma_semaphore, #tpu.memory_space<semaphore_mem>>)
      %dma_wait3A = arith.constant 0 : i32
      %dma_wait3A_44 = tpu.memref_slice %arg6[%arg0, %mul3A_37, %dma_wait3A] : memref<2x10112x48xf32, #tpu.memory_space<hbm>> -> memref<1x632x48xf32, #tpu.memory_space<hbm>>
      %dma_wait3A_45 = tpu.memref_squeeze %dma_wait3A_44 : memref<1x632x48xf32, #tpu.memory_space<hbm>> -> memref<632x48xf32, #tpu.memory_space<hbm>>
      %dma_wait3A_46 = arith.constant 0 : i32
      %dma_wait3A_47 = tpu.memref_slice %arg6[%arg0, %mul3A_37, %dma_wait3A_46] : memref<2x10112x48xf32, #tpu.memory_space<hbm>> -> memref<1x632x48xf32, #tpu.memory_space<hbm>>
      %dma_wait3A_48 = tpu.memref_squeeze %dma_wait3A_47 : memref<1x632x48xf32, #tpu.memory_space<hbm>> -> memref<632x48xf32, #tpu.memory_space<hbm>>
      tpu.wait_dma2 semaphore(%run_scoped3A : memref<!tpu.dma_semaphore, #tpu.memory_space<semaphore_mem>>) src(%arg10 : memref<632x48xf32, #tpu.memory_space<vmem>>) dst(%dma_wait3A_48 : memref<632x48xf32, #tpu.memory_space<hbm>>)
      tpu.yield
    }) : () -> ()
    return
  }
}

#map = affine_map<(d0, d1) -> (0, 0, 0)>
#map1 = affine_map<(d0, d1) -> (0, 0)>
module attributes {stable_mosaic.version = 14 : i64} {
  func.func @sc_scatter(%arg0: i32, %arg1: i32, %arg2: memref<32x80x128xi32, #tpu.memory_space<hbm>>, %arg3: memref<32x80x128xi32, #tpu.memory_space<hbm>>, %arg4: memref<10000x64xf32, #tpu.memory_space<hbm>>, %arg5: memref<10112x64xf32, #tpu.memory_space<hbm>>, %arg6: memref<2x10112x64xf32, #tpu.memory_space<hbm>>, %arg7: memref<80x128xi32, #tpu.memory_space<vmem>>, %arg8: memref<80x128xi32, #tpu.memory_space<vmem>>, %arg9: memref<2x128x64xf32, #tpu.memory_space<vmem>>, %arg10: memref<632x64xf32, #tpu.memory_space<vmem>>, %arg11: memref<10112x64xf32, #tpu.memory_space<vmem_shared>>, %arg12: memref<!tpu.dma_semaphore, #tpu.memory_space<semaphore_mem>>, %arg13: memref<!tpu.dma_semaphore, #tpu.memory_space<semaphore_mem>>) attributes {dimension_semantics = [#tpu.dimension_semantics<core_parallel>, #tpu.dimension_semantics<subcore_parallel>], iteration_bounds = array<i64: 2, 16>, scalar_prefetch = 0 : i64, scratch_operands = 7 : i64, tpu.core_type = #tpu.core_type<sc_vector_subcore>, window_params = [{transform_indices = #map}, {transform_indices = #map}, {transform_indices = #map1}, {transform_indices = #map1}, {transform_indices = #map}]} {
    %mul3A = arith.constant 2 : i32
    %mul3A_0 = arith.muli %arg1, %mul3A : i32
    %add3A = arith.addi %mul3A_0, %arg0 : i32
    "tpu.region"() ({
      %run_scoped3A = tpu.sem_alloc : memref<!tpu.dma_semaphore, #tpu.memory_space<semaphore_mem>>
      %dma_start3A_38 = arith.constant 0 : i32
      %dma_start3A_39 = arith.constant 0 : i32
      %dma_start3A_40 = tpu.memref_slice %arg2[%add3A, %dma_start3A_38, %dma_start3A_39] : memref<32x80x128xi32, #tpu.memory_space<hbm>> -> memref<1x80x128xi32, #tpu.memory_space<hbm>>
      %dma_start3A_41 = tpu.memref_squeeze %dma_start3A_40 : memref<1x80x128xi32, #tpu.memory_space<hbm>> -> memref<80x128xi32, #tpu.memory_space<hbm>>
      %dma_start3A_42 = arith.constant 0 : i32
      %dma_start3A_43 = arith.constant 0 : i32
      %dma_start3A_44 = tpu.memref_slice %arg2[%add3A, %dma_start3A_42, %dma_start3A_43] : memref<32x80x128xi32, #tpu.memory_space<hbm>> -> memref<1x80x128xi32, #tpu.memory_space<hbm>>
      %dma_start3A_45 = tpu.memref_squeeze %dma_start3A_44 : memref<1x80x128xi32, #tpu.memory_space<hbm>> -> memref<80x128xi32, #tpu.memory_space<hbm>>
      tpu.enqueue_dma source(%dma_start3A_45 : memref<80x128xi32, #tpu.memory_space<hbm>>) target(%arg7 : memref<80x128xi32, #tpu.memory_space<vmem>>) target_semaphore(%run_scoped3A : memref<!tpu.dma_semaphore, #tpu.memory_space<semaphore_mem>>)
      %dma_wait3A = arith.constant 0 : i32
      %dma_wait3A_46 = arith.constant 0 : i32
      %dma_wait3A_47 = tpu.memref_slice %arg2[%add3A, %dma_wait3A, %dma_wait3A_46] : memref<32x80x128xi32, #tpu.memory_space<hbm>> -> memref<1x80x128xi32, #tpu.memory_space<hbm>>
      %dma_wait3A_48 = tpu.memref_squeeze %dma_wait3A_47 : memref<1x80x128xi32, #tpu.memory_space<hbm>> -> memref<80x128xi32, #tpu.memory_space<hbm>>
      %dma_wait3A_49 = arith.constant 0 : i32
      %dma_wait3A_50 = arith.constant 0 : i32
      %dma_wait3A_51 = tpu.memref_slice %arg2[%add3A, %dma_wait3A_49, %dma_wait3A_50] : memref<32x80x128xi32, #tpu.memory_space<hbm>> -> memref<1x80x128xi32, #tpu.memory_space<hbm>>
      %dma_wait3A_52 = tpu.memref_squeeze %dma_wait3A_51 : memref<1x80x128xi32, #tpu.memory_space<hbm>> -> memref<80x128xi32, #tpu.memory_space<hbm>>
      tpu.wait_dma2 semaphore(%run_scoped3A : memref<!tpu.dma_semaphore, #tpu.memory_space<semaphore_mem>>) src(%dma_wait3A_52 : memref<80x128xi32, #tpu.memory_space<hbm>>) dst(%arg7 : memref<80x128xi32, #tpu.memory_space<vmem>>)
      tpu.yield
    }) : () -> ()
    "tpu.region"() ({
      %run_scoped3A = tpu.sem_alloc : memref<!tpu.dma_semaphore, #tpu.memory_space<semaphore_mem>>
      %dma_start3A_38 = arith.constant 0 : i32
      %dma_start3A_39 = arith.constant 0 : i32
      %dma_start3A_40 = tpu.memref_slice %arg3[%add3A, %dma_start3A_38, %dma_start3A_39] : memref<32x80x128xi32, #tpu.memory_space<hbm>> -> memref<1x80x128xi32, #tpu.memory_space<hbm>>
      %dma_start3A_41 = tpu.memref_squeeze %dma_start3A_40 : memref<1x80x128xi32, #tpu.memory_space<hbm>> -> memref<80x128xi32, #tpu.memory_space<hbm>>
      %dma_start3A_42 = arith.constant 0 : i32
      %dma_start3A_43 = arith.constant 0 : i32
      %dma_start3A_44 = tpu.memref_slice %arg3[%add3A, %dma_start3A_42, %dma_start3A_43] : memref<32x80x128xi32, #tpu.memory_space<hbm>> -> memref<1x80x128xi32, #tpu.memory_space<hbm>>
      %dma_start3A_45 = tpu.memref_squeeze %dma_start3A_44 : memref<1x80x128xi32, #tpu.memory_space<hbm>> -> memref<80x128xi32, #tpu.memory_space<hbm>>
      tpu.enqueue_dma source(%dma_start3A_45 : memref<80x128xi32, #tpu.memory_space<hbm>>) target(%arg8 : memref<80x128xi32, #tpu.memory_space<vmem>>) target_semaphore(%run_scoped3A : memref<!tpu.dma_semaphore, #tpu.memory_space<semaphore_mem>>)
      %dma_wait3A = arith.constant 0 : i32
      %dma_wait3A_46 = arith.constant 0 : i32
      %dma_wait3A_47 = tpu.memref_slice %arg3[%add3A, %dma_wait3A, %dma_wait3A_46] : memref<32x80x128xi32, #tpu.memory_space<hbm>> -> memref<1x80x128xi32, #tpu.memory_space<hbm>>
      %dma_wait3A_48 = tpu.memref_squeeze %dma_wait3A_47 : memref<1x80x128xi32, #tpu.memory_space<hbm>> -> memref<80x128xi32, #tpu.memory_space<hbm>>
      %dma_wait3A_49 = arith.constant 0 : i32
      %dma_wait3A_50 = arith.constant 0 : i32
      %dma_wait3A_51 = tpu.memref_slice %arg3[%add3A, %dma_wait3A_49, %dma_wait3A_50] : memref<32x80x128xi32, #tpu.memory_space<hbm>> -> memref<1x80x128xi32, #tpu.memory_space<hbm>>
      %dma_wait3A_52 = tpu.memref_squeeze %dma_wait3A_51 : memref<1x80x128xi32, #tpu.memory_space<hbm>> -> memref<80x128xi32, #tpu.memory_space<hbm>>
      tpu.wait_dma2 semaphore(%run_scoped3A : memref<!tpu.dma_semaphore, #tpu.memory_space<semaphore_mem>>) src(%dma_wait3A_52 : memref<80x128xi32, #tpu.memory_space<hbm>>) dst(%arg8 : memref<80x128xi32, #tpu.memory_space<vmem>>)
      tpu.yield
    }) : () -> ()
    %dma_start3A = arith.constant 0 : i32
    %dma_start3A_1 = arith.constant 0 : i32
    %dma_start3A_2 = arith.constant 0 : i32
    %dma_start3A_3 = arith.constant 0 : i32
    %dma_start3A_4 = tpu.memref_slice %arg9[%dma_start3A_1, %dma_start3A_2, %dma_start3A_3] : memref<2x128x64xf32, #tpu.memory_space<vmem>> -> memref<1x128x64xf32, #tpu.memory_space<vmem>>
    %dma_start3A_5 = tpu.memref_squeeze %dma_start3A_4 : memref<1x128x64xf32, #tpu.memory_space<vmem>> -> memref<128x64xf32, #tpu.memory_space<vmem>>
    %dma_start3A_6 = arith.constant 0 : i32
    %dma_start3A_7 = tpu.memref_slice %arg7[%dma_start3A, %dma_start3A_6] : memref<80x128xi32, #tpu.memory_space<vmem>> -> memref<1x128xi32, #tpu.memory_space<vmem>>
    %dma_start3A_8 = tpu.memref_squeeze %dma_start3A_7 : memref<1x128xi32, #tpu.memory_space<vmem>> -> memref<128xi32, #tpu.memory_space<vmem>>
    %dma_start3A_9 = arith.constant 0 : i32
    %dma_start3A_10 = arith.constant 0 : i32
    %dma_start3A_11 = tpu.memref_slice %arg4[%dma_start3A_9, %dma_start3A_10] : memref<10000x64xf32, #tpu.memory_space<hbm>> -> memref<10000x64xf32, #tpu.memory_space<hbm>>
    tpu.enqueue_indirect_dma source(%dma_start3A_11 : memref<10000x64xf32, #tpu.memory_space<hbm>>) target(%dma_start3A_5 : memref<128x64xf32, #tpu.memory_space<vmem>>) offsets(%dma_start3A_8 : memref<128xi32, #tpu.memory_space<vmem>>) semaphore(%arg12 : memref<!tpu.dma_semaphore, #tpu.memory_space<semaphore_mem>>)
    %dma_start3A_12 = arith.constant 1 : i32
    %dma_start3A_13 = arith.constant 1 : i32
    %dma_start3A_14 = arith.constant 0 : i32
    %dma_start3A_15 = arith.constant 0 : i32
    %dma_start3A_16 = tpu.memref_slice %arg9[%dma_start3A_13, %dma_start3A_14, %dma_start3A_15] : memref<2x128x64xf32, #tpu.memory_space<vmem>> -> memref<1x128x64xf32, #tpu.memory_space<vmem>>
    %dma_start3A_17 = tpu.memref_squeeze %dma_start3A_16 : memref<1x128x64xf32, #tpu.memory_space<vmem>> -> memref<128x64xf32, #tpu.memory_space<vmem>>
    %dma_start3A_18 = arith.constant 0 : i32
    %dma_start3A_19 = tpu.memref_slice %arg7[%dma_start3A_12, %dma_start3A_18] : memref<80x128xi32, #tpu.memory_space<vmem>> -> memref<1x128xi32, #tpu.memory_space<vmem>>
    %dma_start3A_20 = tpu.memref_squeeze %dma_start3A_19 : memref<1x128xi32, #tpu.memory_space<vmem>> -> memref<128xi32, #tpu.memory_space<vmem>>
    %dma_start3A_21 = arith.constant 0 : i32
    %dma_start3A_22 = arith.constant 0 : i32
    %dma_start3A_23 = tpu.memref_slice %arg4[%dma_start3A_21, %dma_start3A_22] : memref<10000x64xf32, #tpu.memory_space<hbm>> -> memref<10000x64xf32, #tpu.memory_space<hbm>>
    tpu.enqueue_indirect_dma source(%dma_start3A_23 : memref<10000x64xf32, #tpu.memory_space<hbm>>) target(%dma_start3A_17 : memref<128x64xf32, #tpu.memory_space<vmem>>) offsets(%dma_start3A_20 : memref<128xi32, #tpu.memory_space<vmem>>) semaphore(%arg13 : memref<!tpu.dma_semaphore, #tpu.memory_space<semaphore_mem>>)
    %mul3A_24 = arith.constant 632 : i32
    %mul3A_25 = arith.muli %arg1, %mul3A_24 : i32
    "tpu.region"() ({
      %run_scoped3A = tpu.sem_alloc : memref<!tpu.dma_semaphore, #tpu.memory_space<semaphore_mem>>
      %dma_start3A_38 = arith.constant 0 : i32
      %dma_start3A_39 = tpu.memref_slice %arg5[%mul3A_25, %dma_start3A_38] : memref<10112x64xf32, #tpu.memory_space<hbm>> -> memref<632x64xf32, #tpu.memory_space<hbm>>
      %dma_start3A_40 = arith.constant 0 : i32
      %dma_start3A_41 = tpu.memref_slice %arg5[%mul3A_25, %dma_start3A_40] : memref<10112x64xf32, #tpu.memory_space<hbm>> -> memref<632x64xf32, #tpu.memory_space<hbm>>
      tpu.enqueue_dma source(%dma_start3A_41 : memref<632x64xf32, #tpu.memory_space<hbm>>) target(%arg10 : memref<632x64xf32, #tpu.memory_space<vmem>>) target_semaphore(%run_scoped3A : memref<!tpu.dma_semaphore, #tpu.memory_space<semaphore_mem>>)
      %dma_wait3A = arith.constant 0 : i32
      %dma_wait3A_42 = tpu.memref_slice %arg5[%mul3A_25, %dma_wait3A] : memref<10112x64xf32, #tpu.memory_space<hbm>> -> memref<632x64xf32, #tpu.memory_space<hbm>>
      %dma_wait3A_43 = arith.constant 0 : i32
      %dma_wait3A_44 = tpu.memref_slice %arg5[%mul3A_25, %dma_wait3A_43] : memref<10112x64xf32, #tpu.memory_space<hbm>> -> memref<632x64xf32, #tpu.memory_space<hbm>>
      tpu.wait_dma2 semaphore(%run_scoped3A : memref<!tpu.dma_semaphore, #tpu.memory_space<semaphore_mem>>) src(%dma_wait3A_44 : memref<632x64xf32, #tpu.memory_space<hbm>>) dst(%arg10 : memref<632x64xf32, #tpu.memory_space<vmem>>)
      tpu.yield
    }) : () -> ()
    %mul3A_26 = arith.constant 632 : i32
    %mul3A_27 = arith.muli %arg1, %mul3A_26 : i32
    "tpu.region"() ({
      %run_scoped3A = tpu.sem_alloc : memref<!tpu.dma_semaphore, #tpu.memory_space<semaphore_mem>>
      %dma_start3A_38 = arith.constant 0 : i32
      %dma_start3A_39 = tpu.memref_slice %arg11[%mul3A_27, %dma_start3A_38] : memref<10112x64xf32, #tpu.memory_space<vmem_shared>> -> memref<632x64xf32, #tpu.memory_space<vmem_shared>>
      %dma_start3A_40 = arith.constant 0 : i32
      %dma_start3A_41 = tpu.memref_slice %arg11[%mul3A_27, %dma_start3A_40] : memref<10112x64xf32, #tpu.memory_space<vmem_shared>> -> memref<632x64xf32, #tpu.memory_space<vmem_shared>>
      tpu.enqueue_dma source(%arg10 : memref<632x64xf32, #tpu.memory_space<vmem>>) target(%dma_start3A_41 : memref<632x64xf32, #tpu.memory_space<vmem_shared>>) target_semaphore(%run_scoped3A : memref<!tpu.dma_semaphore, #tpu.memory_space<semaphore_mem>>)
      %dma_wait3A = arith.constant 0 : i32
      %dma_wait3A_42 = tpu.memref_slice %arg11[%mul3A_27, %dma_wait3A] : memref<10112x64xf32, #tpu.memory_space<vmem_shared>> -> memref<632x64xf32, #tpu.memory_space<vmem_shared>>
      %dma_wait3A_43 = arith.constant 0 : i32
      %dma_wait3A_44 = tpu.memref_slice %arg11[%mul3A_27, %dma_wait3A_43] : memref<10112x64xf32, #tpu.memory_space<vmem_shared>> -> memref<632x64xf32, #tpu.memory_space<vmem_shared>>
      tpu.wait_dma2 semaphore(%run_scoped3A : memref<!tpu.dma_semaphore, #tpu.memory_space<semaphore_mem>>) src(%arg10 : memref<632x64xf32, #tpu.memory_space<vmem>>) dst(%dma_wait3A_44 : memref<632x64xf32, #tpu.memory_space<vmem_shared>>)
      tpu.yield
    }) : () -> ()
    %barrier3A = arith.constant 0 : index
    tpu.barrier barrier_id(%barrier3A)
    %scan3A = arith.constant 0 : i32
    %scan3A_28 = arith.constant 0 : i32
    %scan3A_29 = arith.constant 40 : i32
    %scan3A_30 = arith.addi %scan3A_28, %scan3A_29 : i32
    %scan3A_31 = arith.constant 1 : i32
    scf.for %scan3A_38 = %scan3A_28 to %scan3A_30 step %scan3A_31  : i32 {
      %mul3A_39 = arith.constant 2 : i32
      %mul3A_40 = arith.muli %mul3A_39, %scan3A_38 : i32
      %add3A_41 = arith.constant 0 : i32
      %add3A_42 = arith.addi %mul3A_40, %add3A_41 : i32
      %dma_wait3A = arith.constant 0 : i32
      %dma_wait3A_43 = arith.constant 0 : i32
      %dma_wait3A_44 = arith.constant 0 : i32
      %dma_wait3A_45 = arith.constant 0 : i32
      %dma_wait3A_46 = tpu.memref_slice %arg9[%dma_wait3A_43, %dma_wait3A_44, %dma_wait3A_45] : memref<2x128x64xf32, #tpu.memory_space<vmem>> -> memref<1x128x64xf32, #tpu.memory_space<vmem>>
      %dma_wait3A_47 = tpu.memref_squeeze %dma_wait3A_46 : memref<1x128x64xf32, #tpu.memory_space<vmem>> -> memref<128x64xf32, #tpu.memory_space<vmem>>
      %dma_wait3A_48 = arith.constant 0 : i32
      %dma_wait3A_49 = tpu.memref_slice %arg7[%dma_wait3A, %dma_wait3A_48] : memref<80x128xi32, #tpu.memory_space<vmem>> -> memref<1x128xi32, #tpu.memory_space<vmem>>
      %dma_wait3A_50 = tpu.memref_squeeze %dma_wait3A_49 : memref<1x128xi32, #tpu.memory_space<vmem>> -> memref<128xi32, #tpu.memory_space<vmem>>
      %dma_wait3A_51 = arith.constant 0 : i32
      %dma_wait3A_52 = arith.constant 0 : i32
      %dma_wait3A_53 = tpu.memref_slice %arg4[%dma_wait3A_51, %dma_wait3A_52] : memref<10000x64xf32, #tpu.memory_space<hbm>> -> memref<10000x64xf32, #tpu.memory_space<hbm>>
      tpu.wait_indirect_dma semaphore(%arg12 : memref<!tpu.dma_semaphore, #tpu.memory_space<semaphore_mem>>) src(%dma_wait3A_53 : memref<10000x64xf32, #tpu.memory_space<hbm>>) dst(%dma_wait3A_47 : memref<128x64xf32, #tpu.memory_space<vmem>>)
      %run_scoped3A = arith.constant 0 : i32
      "tpu.region"() ({
        %run_scoped3A_82 = tpu.sem_alloc : memref<!tpu.dma_semaphore, #tpu.memory_space<semaphore_mem>>
        %dma_start3A_83 = arith.constant 0 : i32
        %dma_start3A_84 = arith.constant 0 : i32
        %dma_start3A_85 = tpu.memref_slice %arg9[%run_scoped3A, %dma_start3A_83, %dma_start3A_84] : memref<2x128x64xf32, #tpu.memory_space<vmem>> -> memref<1x128x64xf32, #tpu.memory_space<vmem>>
        %dma_start3A_86 = tpu.memref_squeeze %dma_start3A_85 : memref<1x128x64xf32, #tpu.memory_space<vmem>> -> memref<128x64xf32, #tpu.memory_space<vmem>>
        %dma_start3A_87 = arith.constant 0 : i32
        %dma_start3A_88 = tpu.memref_slice %arg8[%add3A_42, %dma_start3A_87] : memref<80x128xi32, #tpu.memory_space<vmem>> -> memref<1x128xi32, #tpu.memory_space<vmem>>
        %dma_start3A_89 = tpu.memref_squeeze %dma_start3A_88 : memref<1x128xi32, #tpu.memory_space<vmem>> -> memref<128xi32, #tpu.memory_space<vmem>>
        %dma_start3A_90 = arith.constant 0 : i32
        %dma_start3A_91 = arith.constant 0 : i32
        %dma_start3A_92 = tpu.memref_slice %arg11[%dma_start3A_90, %dma_start3A_91] : memref<10112x64xf32, #tpu.memory_space<vmem_shared>> -> memref<10112x64xf32, #tpu.memory_space<vmem_shared>>
        tpu.enqueue_indirect_dma source(%dma_start3A_86 : memref<128x64xf32, #tpu.memory_space<vmem>>) target(%dma_start3A_92 : memref<10112x64xf32, #tpu.memory_space<vmem_shared>>) offsets(%dma_start3A_89 : memref<128xi32, #tpu.memory_space<vmem>>) semaphore(%run_scoped3A_82 : memref<!tpu.dma_semaphore, #tpu.memory_space<semaphore_mem>>) {add = true}
        %dma_wait3A_93 = arith.constant 0 : i32
        %dma_wait3A_94 = arith.constant 0 : i32
        %dma_wait3A_95 = tpu.memref_slice %arg9[%run_scoped3A, %dma_wait3A_93, %dma_wait3A_94] : memref<2x128x64xf32, #tpu.memory_space<vmem>> -> memref<1x128x64xf32, #tpu.memory_space<vmem>>
        %dma_wait3A_96 = tpu.memref_squeeze %dma_wait3A_95 : memref<1x128x64xf32, #tpu.memory_space<vmem>> -> memref<128x64xf32, #tpu.memory_space<vmem>>
        %dma_wait3A_97 = arith.constant 0 : i32
        %dma_wait3A_98 = tpu.memref_slice %arg8[%add3A_42, %dma_wait3A_97] : memref<80x128xi32, #tpu.memory_space<vmem>> -> memref<1x128xi32, #tpu.memory_space<vmem>>
        %dma_wait3A_99 = tpu.memref_squeeze %dma_wait3A_98 : memref<1x128xi32, #tpu.memory_space<vmem>> -> memref<128xi32, #tpu.memory_space<vmem>>
        %dma_wait3A_100 = arith.constant 0 : i32
        %dma_wait3A_101 = arith.constant 0 : i32
        %dma_wait3A_102 = tpu.memref_slice %arg11[%dma_wait3A_100, %dma_wait3A_101] : memref<10112x64xf32, #tpu.memory_space<vmem_shared>> -> memref<10112x64xf32, #tpu.memory_space<vmem_shared>>
        tpu.wait_indirect_dma semaphore(%run_scoped3A_82 : memref<!tpu.dma_semaphore, #tpu.memory_space<semaphore_mem>>) src(%dma_wait3A_96 : memref<128x64xf32, #tpu.memory_space<vmem>>) dst(%dma_wait3A_102 : memref<10112x64xf32, #tpu.memory_space<vmem_shared>>)
        tpu.yield
      }) : () -> ()
      %add3A_54 = arith.constant 2 : i32
      %add3A_55 = arith.addi %add3A_42, %add3A_54 : i32
      %lt3A = arith.constant 80 : i32
      %lt3A_56 = arith.cmpi slt, %add3A_55, %lt3A : i32
      %convert_element_type3A = arith.extui %lt3A_56 : i1 to i32
      %cond3A = arith.constant 0 : i32
      %cond3A_57 = arith.cmpi ne, %convert_element_type3A, %cond3A : i32
      scf.if %cond3A_57 {
        %add3A_82 = arith.constant 2 : i32
        %add3A_83 = arith.addi %add3A_42, %add3A_82 : i32
        %dma_start3A_84 = arith.constant 0 : i32
        %dma_start3A_85 = arith.constant 0 : i32
        %dma_start3A_86 = arith.constant 0 : i32
        %dma_start3A_87 = tpu.memref_slice %arg9[%dma_start3A_84, %dma_start3A_85, %dma_start3A_86] : memref<2x128x64xf32, #tpu.memory_space<vmem>> -> memref<1x128x64xf32, #tpu.memory_space<vmem>>
        %dma_start3A_88 = tpu.memref_squeeze %dma_start3A_87 : memref<1x128x64xf32, #tpu.memory_space<vmem>> -> memref<128x64xf32, #tpu.memory_space<vmem>>
        %dma_start3A_89 = arith.constant 0 : i32
        %dma_start3A_90 = tpu.memref_slice %arg7[%add3A_83, %dma_start3A_89] : memref<80x128xi32, #tpu.memory_space<vmem>> -> memref<1x128xi32, #tpu.memory_space<vmem>>
        %dma_start3A_91 = tpu.memref_squeeze %dma_start3A_90 : memref<1x128xi32, #tpu.memory_space<vmem>> -> memref<128xi32, #tpu.memory_space<vmem>>
        %dma_start3A_92 = arith.constant 0 : i32
        %dma_start3A_93 = arith.constant 0 : i32
        %dma_start3A_94 = tpu.memref_slice %arg4[%dma_start3A_92, %dma_start3A_93] : memref<10000x64xf32, #tpu.memory_space<hbm>> -> memref<10000x64xf32, #tpu.memory_space<hbm>>
        tpu.enqueue_indirect_dma source(%dma_start3A_94 : memref<10000x64xf32, #tpu.memory_space<hbm>>) target(%dma_start3A_88 : memref<128x64xf32, #tpu.memory_space<vmem>>) offsets(%dma_start3A_91 : memref<128xi32, #tpu.memory_space<vmem>>) semaphore(%arg12 : memref<!tpu.dma_semaphore, #tpu.memory_space<semaphore_mem>>)
      } else {
      }
      %mul3A_58 = arith.constant 2 : i32
      %mul3A_59 = arith.muli %mul3A_58, %scan3A_38 : i32
      %add3A_60 = arith.constant 1 : i32
      %add3A_61 = arith.addi %mul3A_59, %add3A_60 : i32
      %dma_wait3A_62 = arith.constant 0 : i32
      %dma_wait3A_63 = arith.constant 1 : i32
      %dma_wait3A_64 = arith.constant 0 : i32
      %dma_wait3A_65 = arith.constant 0 : i32
      %dma_wait3A_66 = tpu.memref_slice %arg9[%dma_wait3A_63, %dma_wait3A_64, %dma_wait3A_65] : memref<2x128x64xf32, #tpu.memory_space<vmem>> -> memref<1x128x64xf32, #tpu.memory_space<vmem>>
      %dma_wait3A_67 = tpu.memref_squeeze %dma_wait3A_66 : memref<1x128x64xf32, #tpu.memory_space<vmem>> -> memref<128x64xf32, #tpu.memory_space<vmem>>
      %dma_wait3A_68 = arith.constant 0 : i32
      %dma_wait3A_69 = tpu.memref_slice %arg7[%dma_wait3A_62, %dma_wait3A_68] : memref<80x128xi32, #tpu.memory_space<vmem>> -> memref<1x128xi32, #tpu.memory_space<vmem>>
      %dma_wait3A_70 = tpu.memref_squeeze %dma_wait3A_69 : memref<1x128xi32, #tpu.memory_space<vmem>> -> memref<128xi32, #tpu.memory_space<vmem>>
      %dma_wait3A_71 = arith.constant 0 : i32
      %dma_wait3A_72 = arith.constant 0 : i32
      %dma_wait3A_73 = tpu.memref_slice %arg4[%dma_wait3A_71, %dma_wait3A_72] : memref<10000x64xf32, #tpu.memory_space<hbm>> -> memref<10000x64xf32, #tpu.memory_space<hbm>>
      tpu.wait_indirect_dma semaphore(%arg13 : memref<!tpu.dma_semaphore, #tpu.memory_space<semaphore_mem>>) src(%dma_wait3A_73 : memref<10000x64xf32, #tpu.memory_space<hbm>>) dst(%dma_wait3A_67 : memref<128x64xf32, #tpu.memory_space<vmem>>)
      %run_scoped3A_74 = arith.constant 1 : i32
      "tpu.region"() ({
        %run_scoped3A_82 = tpu.sem_alloc : memref<!tpu.dma_semaphore, #tpu.memory_space<semaphore_mem>>
        %dma_start3A_83 = arith.constant 0 : i32
        %dma_start3A_84 = arith.constant 0 : i32
        %dma_start3A_85 = tpu.memref_slice %arg9[%run_scoped3A_74, %dma_start3A_83, %dma_start3A_84] : memref<2x128x64xf32, #tpu.memory_space<vmem>> -> memref<1x128x64xf32, #tpu.memory_space<vmem>>
        %dma_start3A_86 = tpu.memref_squeeze %dma_start3A_85 : memref<1x128x64xf32, #tpu.memory_space<vmem>> -> memref<128x64xf32, #tpu.memory_space<vmem>>
        %dma_start3A_87 = arith.constant 0 : i32
        %dma_start3A_88 = tpu.memref_slice %arg8[%add3A_61, %dma_start3A_87] : memref<80x128xi32, #tpu.memory_space<vmem>> -> memref<1x128xi32, #tpu.memory_space<vmem>>
        %dma_start3A_89 = tpu.memref_squeeze %dma_start3A_88 : memref<1x128xi32, #tpu.memory_space<vmem>> -> memref<128xi32, #tpu.memory_space<vmem>>
        %dma_start3A_90 = arith.constant 0 : i32
        %dma_start3A_91 = arith.constant 0 : i32
        %dma_start3A_92 = tpu.memref_slice %arg11[%dma_start3A_90, %dma_start3A_91] : memref<10112x64xf32, #tpu.memory_space<vmem_shared>> -> memref<10112x64xf32, #tpu.memory_space<vmem_shared>>
        tpu.enqueue_indirect_dma source(%dma_start3A_86 : memref<128x64xf32, #tpu.memory_space<vmem>>) target(%dma_start3A_92 : memref<10112x64xf32, #tpu.memory_space<vmem_shared>>) offsets(%dma_start3A_89 : memref<128xi32, #tpu.memory_space<vmem>>) semaphore(%run_scoped3A_82 : memref<!tpu.dma_semaphore, #tpu.memory_space<semaphore_mem>>) {add = true}
        %dma_wait3A_93 = arith.constant 0 : i32
        %dma_wait3A_94 = arith.constant 0 : i32
        %dma_wait3A_95 = tpu.memref_slice %arg9[%run_scoped3A_74, %dma_wait3A_93, %dma_wait3A_94] : memref<2x128x64xf32, #tpu.memory_space<vmem>> -> memref<1x128x64xf32, #tpu.memory_space<vmem>>
        %dma_wait3A_96 = tpu.memref_squeeze %dma_wait3A_95 : memref<1x128x64xf32, #tpu.memory_space<vmem>> -> memref<128x64xf32, #tpu.memory_space<vmem>>
        %dma_wait3A_97 = arith.constant 0 : i32
        %dma_wait3A_98 = tpu.memref_slice %arg8[%add3A_61, %dma_wait3A_97] : memref<80x128xi32, #tpu.memory_space<vmem>> -> memref<1x128xi32, #tpu.memory_space<vmem>>
        %dma_wait3A_99 = tpu.memref_squeeze %dma_wait3A_98 : memref<1x128xi32, #tpu.memory_space<vmem>> -> memref<128xi32, #tpu.memory_space<vmem>>
        %dma_wait3A_100 = arith.constant 0 : i32
        %dma_wait3A_101 = arith.constant 0 : i32
        %dma_wait3A_102 = tpu.memref_slice %arg11[%dma_wait3A_100, %dma_wait3A_101] : memref<10112x64xf32, #tpu.memory_space<vmem_shared>> -> memref<10112x64xf32, #tpu.memory_space<vmem_shared>>
        tpu.wait_indirect_dma semaphore(%run_scoped3A_82 : memref<!tpu.dma_semaphore, #tpu.memory_space<semaphore_mem>>) src(%dma_wait3A_96 : memref<128x64xf32, #tpu.memory_space<vmem>>) dst(%dma_wait3A_102 : memref<10112x64xf32, #tpu.memory_space<vmem_shared>>)
        tpu.yield
      }) : () -> ()
      %add3A_75 = arith.constant 2 : i32
      %add3A_76 = arith.addi %add3A_61, %add3A_75 : i32
      %lt3A_77 = arith.constant 80 : i32
      %lt3A_78 = arith.cmpi slt, %add3A_76, %lt3A_77 : i32
      %convert_element_type3A_79 = arith.extui %lt3A_78 : i1 to i32
      %cond3A_80 = arith.constant 0 : i32
      %cond3A_81 = arith.cmpi ne, %convert_element_type3A_79, %cond3A_80 : i32
      scf.if %cond3A_81 {
        %add3A_82 = arith.constant 2 : i32
        %add3A_83 = arith.addi %add3A_61, %add3A_82 : i32
        %dma_start3A_84 = arith.constant 1 : i32
        %dma_start3A_85 = arith.constant 0 : i32
        %dma_start3A_86 = arith.constant 0 : i32
        %dma_start3A_87 = tpu.memref_slice %arg9[%dma_start3A_84, %dma_start3A_85, %dma_start3A_86] : memref<2x128x64xf32, #tpu.memory_space<vmem>> -> memref<1x128x64xf32, #tpu.memory_space<vmem>>
        %dma_start3A_88 = tpu.memref_squeeze %dma_start3A_87 : memref<1x128x64xf32, #tpu.memory_space<vmem>> -> memref<128x64xf32, #tpu.memory_space<vmem>>
        %dma_start3A_89 = arith.constant 0 : i32
        %dma_start3A_90 = tpu.memref_slice %arg7[%add3A_83, %dma_start3A_89] : memref<80x128xi32, #tpu.memory_space<vmem>> -> memref<1x128xi32, #tpu.memory_space<vmem>>
        %dma_start3A_91 = tpu.memref_squeeze %dma_start3A_90 : memref<1x128xi32, #tpu.memory_space<vmem>> -> memref<128xi32, #tpu.memory_space<vmem>>
        %dma_start3A_92 = arith.constant 0 : i32
        %dma_start3A_93 = arith.constant 0 : i32
        %dma_start3A_94 = tpu.memref_slice %arg4[%dma_start3A_92, %dma_start3A_93] : memref<10000x64xf32, #tpu.memory_space<hbm>> -> memref<10000x64xf32, #tpu.memory_space<hbm>>
        tpu.enqueue_indirect_dma source(%dma_start3A_94 : memref<10000x64xf32, #tpu.memory_space<hbm>>) target(%dma_start3A_88 : memref<128x64xf32, #tpu.memory_space<vmem>>) offsets(%dma_start3A_91 : memref<128xi32, #tpu.memory_space<vmem>>) semaphore(%arg13 : memref<!tpu.dma_semaphore, #tpu.memory_space<semaphore_mem>>)
      } else {
      }
    }
    %scan3A_32 = arith.constant 40 : i32
    %barrier3A_33 = arith.constant 0 : index
    tpu.barrier barrier_id(%barrier3A_33)
    %mul3A_34 = arith.constant 632 : i32
    %mul3A_35 = arith.muli %arg1, %mul3A_34 : i32
    "tpu.region"() ({
      %run_scoped3A = tpu.sem_alloc : memref<!tpu.dma_semaphore, #tpu.memory_space<semaphore_mem>>
      %dma_start3A_38 = arith.constant 0 : i32
      %dma_start3A_39 = tpu.memref_slice %arg11[%mul3A_35, %dma_start3A_38] : memref<10112x64xf32, #tpu.memory_space<vmem_shared>> -> memref<632x64xf32, #tpu.memory_space<vmem_shared>>
      %dma_start3A_40 = arith.constant 0 : i32
      %dma_start3A_41 = tpu.memref_slice %arg11[%mul3A_35, %dma_start3A_40] : memref<10112x64xf32, #tpu.memory_space<vmem_shared>> -> memref<632x64xf32, #tpu.memory_space<vmem_shared>>
      tpu.enqueue_dma source(%dma_start3A_41 : memref<632x64xf32, #tpu.memory_space<vmem_shared>>) target(%arg10 : memref<632x64xf32, #tpu.memory_space<vmem>>) target_semaphore(%run_scoped3A : memref<!tpu.dma_semaphore, #tpu.memory_space<semaphore_mem>>)
      %dma_wait3A = arith.constant 0 : i32
      %dma_wait3A_42 = tpu.memref_slice %arg11[%mul3A_35, %dma_wait3A] : memref<10112x64xf32, #tpu.memory_space<vmem_shared>> -> memref<632x64xf32, #tpu.memory_space<vmem_shared>>
      %dma_wait3A_43 = arith.constant 0 : i32
      %dma_wait3A_44 = tpu.memref_slice %arg11[%mul3A_35, %dma_wait3A_43] : memref<10112x64xf32, #tpu.memory_space<vmem_shared>> -> memref<632x64xf32, #tpu.memory_space<vmem_shared>>
      tpu.wait_dma2 semaphore(%run_scoped3A : memref<!tpu.dma_semaphore, #tpu.memory_space<semaphore_mem>>) src(%dma_wait3A_44 : memref<632x64xf32, #tpu.memory_space<vmem_shared>>) dst(%arg10 : memref<632x64xf32, #tpu.memory_space<vmem>>)
      tpu.yield
    }) : () -> ()
    %mul3A_36 = arith.constant 632 : i32
    %mul3A_37 = arith.muli %arg1, %mul3A_36 : i32
    "tpu.region"() ({
      %run_scoped3A = tpu.sem_alloc : memref<!tpu.dma_semaphore, #tpu.memory_space<semaphore_mem>>
      %dma_start3A_38 = arith.constant 0 : i32
      %dma_start3A_39 = tpu.memref_slice %arg6[%arg0, %mul3A_37, %dma_start3A_38] : memref<2x10112x64xf32, #tpu.memory_space<hbm>> -> memref<1x632x64xf32, #tpu.memory_space<hbm>>
      %dma_start3A_40 = tpu.memref_squeeze %dma_start3A_39 : memref<1x632x64xf32, #tpu.memory_space<hbm>> -> memref<632x64xf32, #tpu.memory_space<hbm>>
      %dma_start3A_41 = arith.constant 0 : i32
      %dma_start3A_42 = tpu.memref_slice %arg6[%arg0, %mul3A_37, %dma_start3A_41] : memref<2x10112x64xf32, #tpu.memory_space<hbm>> -> memref<1x632x64xf32, #tpu.memory_space<hbm>>
      %dma_start3A_43 = tpu.memref_squeeze %dma_start3A_42 : memref<1x632x64xf32, #tpu.memory_space<hbm>> -> memref<632x64xf32, #tpu.memory_space<hbm>>
      tpu.enqueue_dma source(%arg10 : memref<632x64xf32, #tpu.memory_space<vmem>>) target(%dma_start3A_43 : memref<632x64xf32, #tpu.memory_space<hbm>>) target_semaphore(%run_scoped3A : memref<!tpu.dma_semaphore, #tpu.memory_space<semaphore_mem>>)
      %dma_wait3A = arith.constant 0 : i32
      %dma_wait3A_44 = tpu.memref_slice %arg6[%arg0, %mul3A_37, %dma_wait3A] : memref<2x10112x64xf32, #tpu.memory_space<hbm>> -> memref<1x632x64xf32, #tpu.memory_space<hbm>>
      %dma_wait3A_45 = tpu.memref_squeeze %dma_wait3A_44 : memref<1x632x64xf32, #tpu.memory_space<hbm>> -> memref<632x64xf32, #tpu.memory_space<hbm>>
      %dma_wait3A_46 = arith.constant 0 : i32
      %dma_wait3A_47 = tpu.memref_slice %arg6[%arg0, %mul3A_37, %dma_wait3A_46] : memref<2x10112x64xf32, #tpu.memory_space<hbm>> -> memref<1x632x64xf32, #tpu.memory_space<hbm>>
      %dma_wait3A_48 = tpu.memref_squeeze %dma_wait3A_47 : memref<1x632x64xf32, #tpu.memory_space<hbm>> -> memref<632x64xf32, #tpu.memory_space<hbm>>
      tpu.wait_dma2 semaphore(%run_scoped3A : memref<!tpu.dma_semaphore, #tpu.memory_space<semaphore_mem>>) src(%arg10 : memref<632x64xf32, #tpu.memory_space<vmem>>) dst(%dma_wait3A_48 : memref<632x64xf32, #tpu.memory_space<hbm>>)
      tpu.yield
    }) : () -> ()
    return
  }
}

module attributes {stable_mosaic.version = 14 : i64} {
  func.func @_mm_a_body(%arg0: i32, %arg1: memref<5000x128xf32, #tpu.memory_space<vmem>>, %arg2: memref<48x128xf32, #tpu.memory_space<vmem>>, %arg3: memref<32x128xf32, #tpu.memory_space<vmem>>, %arg4: memref<5000x48xf32, #tpu.memory_space<vmem>>, %arg5: memref<5000x32xf32, #tpu.memory_space<vmem>>) attributes {dimension_semantics = [#tpu.dimension_semantics<arbitrary>], iteration_bounds = array<i64: 2>, scalar_prefetch = 0 : i64, scratch_operands = 0 : i64, tpu.core_type = #tpu.core_type<tc>, window_params = [{transform_indices = @transform_0, window_bounds = array<i64: 5000, 128>}, {pipeline_mode = #tpu.pipeline_mode<synchronous>, transform_indices = @transform_1, window_bounds = array<i64: 48, 128>}, {pipeline_mode = #tpu.pipeline_mode<synchronous>, transform_indices = @transform_2, window_bounds = array<i64: 32, 128>}, {transform_indices = @transform_3, window_bounds = array<i64: 5000, 48>}, {transform_indices = @transform_4, window_bounds = array<i64: 5000, 32>}]} {
    %get3A = arith.constant 0 : index
    %get3A_0 = arith.constant 0 : index
    %get3A_1 = vector.load %arg1[%get3A, %get3A_0] : memref<5000x128xf32, #tpu.memory_space<vmem>>, vector<5000x128xf32>
    %get3A_2 = arith.constant 0 : index
    %get3A_3 = arith.constant 0 : index
    %get3A_4 = vector.load %arg2[%get3A_2, %get3A_3] : memref<48x128xf32, #tpu.memory_space<vmem>>, vector<48x128xf32>
    %dot_general3A = arith.constant dense<0.000000e+00> : vector<5000x48xf32>
    %dot_general3A_5 = tpu.matmul %get3A_1, %get3A_4, %dot_general3A {dimension_numbers = #tpu.dot_dimension_numbers<[1], [1], [0], [0], [0, 0, 1, 0], [], []>, transpose_lhs_hint = false} : vector<5000x128xf32>, vector<48x128xf32>, vector<5000x48xf32> -> vector<5000x48xf32>
    %iota3A = tpu.iota {dimensions = array<i32: 1>} : vector<5000x48xi32>
    %eq3A = arith.constant 32 : i32
    %eq3A_6 = vector.broadcast %eq3A : i32 to vector<5000x48xi32>
    %eq3A_7 = arith.cmpi eq, %iota3A, %eq3A_6 : vector<5000x48xi32>
    %jit3A = arith.constant 1.000000e+00 : f32
    %jit3A_8 = arith.constant 0.000000e+00 : f32
    %broadcast_in_dim3A = vector.broadcast %jit3A : f32 to vector<5000x48xf32>
    %broadcast_in_dim3A_9 = vector.broadcast %jit3A_8 : f32 to vector<5000x48xf32>
    %select_n3A = arith.select %eq3A_7, %broadcast_in_dim3A, %broadcast_in_dim3A_9 : vector<5000x48xi1>, vector<5000x48xf32>
    %add3A = arith.addf %dot_general3A_5, %select_n3A : vector<5000x48xf32>
    %swap3A = arith.constant 0 : index
    %swap3A_10 = arith.constant 0 : index
    %swap3A_11 = vector.load %arg4[%swap3A, %swap3A_10] : memref<5000x48xf32, #tpu.memory_space<vmem>>, vector<5000x48xf32>
    tpu.vector_store %arg4[%swap3A, %swap3A_10], %add3A {strides = array<i32>} : memref<5000x48xf32, #tpu.memory_space<vmem>>, vector<5000x48xf32>,
    %get3A_12 = arith.constant 0 : index
    %get3A_13 = arith.constant 0 : index
    %get3A_14 = vector.load %arg1[%get3A_12, %get3A_13] : memref<5000x128xf32, #tpu.memory_space<vmem>>, vector<5000x128xf32>
    %get3A_15 = arith.constant 0 : index
    %get3A_16 = arith.constant 0 : index
    %get3A_17 = vector.load %arg3[%get3A_15, %get3A_16] : memref<32x128xf32, #tpu.memory_space<vmem>>, vector<32x128xf32>
    %dot_general3A_18 = arith.constant dense<0.000000e+00> : vector<5000x32xf32>
    %dot_general3A_19 = tpu.matmul %get3A_14, %get3A_17, %dot_general3A_18 {dimension_numbers = #tpu.dot_dimension_numbers<[1], [1], [0], [0], [0, 0, 1, 0], [], []>, transpose_lhs_hint = false} : vector<5000x128xf32>, vector<32x128xf32>, vector<5000x32xf32> -> vector<5000x32xf32>
    %swap3A_20 = arith.constant 0 : index
    %swap3A_21 = arith.constant 0 : index
    %swap3A_22 = vector.load %arg5[%swap3A_20, %swap3A_21] : memref<5000x32xf32, #tpu.memory_space<vmem>>, vector<5000x32xf32>
    tpu.vector_store %arg5[%swap3A_20, %swap3A_21], %dot_general3A_19 {strides = array<i32>} : memref<5000x32xf32, #tpu.memory_space<vmem>>, vector<5000x32xf32>,
    return
  }
  func.func @transform_0(%arg0: i32) -> (i32, i32) {
    %c0_i32 = arith.constant 0 : i32
    %c0_i32_0 = arith.constant 0 : i32
    return %arg0, %c0_i32 : i32, i32
  }
  func.func @transform_1(%arg0: i32) -> (i32, i32) {
    %c0_i32 = arith.constant 0 : i32
    %c0_i32_0 = arith.constant 0 : i32
    %c0_i32_1 = arith.constant 0 : i32
    return %c0_i32, %c0_i32_0 : i32, i32
  }
  func.func @transform_2(%arg0: i32) -> (i32, i32) {
    %c0_i32 = arith.constant 0 : i32
    %c0_i32_0 = arith.constant 0 : i32
    %c0_i32_1 = arith.constant 0 : i32
    return %c0_i32, %c0_i32_0 : i32, i32
  }
  func.func @transform_3(%arg0: i32) -> (i32, i32) {
    %c0_i32 = arith.constant 0 : i32
    %c0_i32_0 = arith.constant 0 : i32
    return %arg0, %c0_i32 : i32, i32
  }
  func.func @transform_4(%arg0: i32) -> (i32, i32) {
    %c0_i32 = arith.constant 0 : i32
    %c0_i32_0 = arith.constant 0 : i32
    return %arg0, %c0_i32 : i32, i32
  }
}

module attributes {stable_mosaic.version = 14 : i64} {
  func.func @_ep1_body(%arg0: i32, %arg1: memref<2x5000x48xf32, #tpu.memory_space<vmem>>, %arg2: memref<5000x32xf32, #tpu.memory_space<vmem>>, %arg3: memref<1x32xf32, #tpu.memory_space<vmem>>, %arg4: memref<64x32xf32, #tpu.memory_space<vmem>>, %arg5: memref<64x32xf32, #tpu.memory_space<vmem>>, %arg6: memref<5000x64xf32, #tpu.memory_space<vmem>>, %arg7: memref<5000x64xf32, #tpu.memory_space<vmem>>) attributes {dimension_semantics = [#tpu.dimension_semantics<arbitrary>], iteration_bounds = array<i64: 2>, scalar_prefetch = 0 : i64, scratch_operands = 0 : i64, tpu.core_type = #tpu.core_type<tc>, window_params = [{transform_indices = @transform_0, window_bounds = array<i64: 2, 5000, 48>}, {transform_indices = @transform_1, window_bounds = array<i64: 5000, 32>}, {pipeline_mode = #tpu.pipeline_mode<synchronous>, transform_indices = @transform_2, window_bounds = array<i64: 1, 32>}, {pipeline_mode = #tpu.pipeline_mode<synchronous>, transform_indices = @transform_3, window_bounds = array<i64: 64, 32>}, {pipeline_mode = #tpu.pipeline_mode<synchronous>, transform_indices = @transform_4, window_bounds = array<i64: 64, 32>}, {transform_indices = @transform_5, window_bounds = array<i64: 5000, 64>}, {transform_indices = @transform_6, window_bounds = array<i64: 5000, 64>}]} {
    %get3A = arith.constant 0 : index
    %get3A_0 = arith.constant 0 : index
    %get3A_1 = arith.constant 0 : index
    %get3A_2 = vector.load %arg1[%get3A, %get3A_0, %get3A_1] : memref<2x5000x48xf32, #tpu.memory_space<vmem>>, vector<1x5000x48xf32>
    %get3A_3 = vector.shape_cast %get3A_2 : vector<1x5000x48xf32> to vector<5000x48xf32>
    %get3A_4 = arith.constant 1 : index
    %get3A_5 = arith.constant 0 : index
    %get3A_6 = arith.constant 0 : index
    %get3A_7 = vector.load %arg1[%get3A_4, %get3A_5, %get3A_6] : memref<2x5000x48xf32, #tpu.memory_space<vmem>>, vector<1x5000x48xf32>
    %get3A_8 = vector.shape_cast %get3A_7 : vector<1x5000x48xf32> to vector<5000x48xf32>
    %add3A = arith.addf %get3A_3, %get3A_8 : vector<5000x48xf32>
    %slice3A = vector.extract_strided_slice %add3A {offsets = [0, 32], sizes = [5000, 1], strides = [1, 1]} : vector<5000x48xf32> to vector<5000x1xf32>
    %max3A = arith.constant 1.000000e+00 : f32
    %max3A_9 = vector.broadcast %max3A : f32 to vector<5000x1xf32>
    %max3A_10 = arith.maximumf %slice3A, %max3A_9 : vector<5000x1xf32>
    %div3A = arith.constant 1.000000e+00 : f32
    %div3A_11 = vector.broadcast %div3A : f32 to vector<5000x1xf32>
    %div3A_12 = arith.divf %div3A_11, %max3A_10 : vector<5000x1xf32>
    %slice3A_13 = vector.extract_strided_slice %add3A {offsets = [0, 0], sizes = [5000, 32], strides = [1, 1]} : vector<5000x48xf32> to vector<5000x32xf32>
    %mul3A = vector.broadcast %div3A_12 : vector<5000x1xf32> to vector<5000x32xf32>
    %mul3A_14 = arith.mulf %slice3A_13, %mul3A : vector<5000x32xf32>
    %get3A_15 = arith.constant 0 : index
    %get3A_16 = arith.constant 0 : index
    %get3A_17 = vector.load %arg3[%get3A_15, %get3A_16] : memref<1x32xf32, #tpu.memory_space<vmem>>, vector<1x32xf32>
    %add3A_18 = vector.broadcast %get3A_17 : vector<1x32xf32> to vector<5000x32xf32>
    %add3A_19 = arith.addf %mul3A_14, %add3A_18 : vector<5000x32xf32>
    %get3A_20 = arith.constant 0 : index
    %get3A_21 = arith.constant 0 : index
    %get3A_22 = vector.load %arg2[%get3A_20, %get3A_21] : memref<5000x32xf32, #tpu.memory_space<vmem>>, vector<5000x32xf32>
    %add3A_23 = arith.addf %add3A_19, %get3A_22 : vector<5000x32xf32>
    %max3A_24 = arith.constant 0.000000e+00 : f32
    %max3A_25 = vector.broadcast %max3A_24 : f32 to vector<5000x32xf32>
    %max3A_26 = arith.maximumf %add3A_23, %max3A_25 : vector<5000x32xf32>
    %get3A_27 = arith.constant 0 : index
    %get3A_28 = arith.constant 0 : index
    %get3A_29 = vector.load %arg4[%get3A_27, %get3A_28] : memref<64x32xf32, #tpu.memory_space<vmem>>, vector<64x32xf32>
    %dot_general3A = arith.constant dense<0.000000e+00> : vector<5000x64xf32>
    %dot_general3A_30 = tpu.matmul %max3A_26, %get3A_29, %dot_general3A {dimension_numbers = #tpu.dot_dimension_numbers<[1], [1], [0], [0], [0, 0, 1, 0], [], []>, transpose_lhs_hint = false} : vector<5000x32xf32>, vector<64x32xf32>, vector<5000x64xf32> -> vector<5000x64xf32>
    %swap3A = arith.constant 0 : index
    %swap3A_31 = arith.constant 0 : index
    %swap3A_32 = vector.load %arg6[%swap3A, %swap3A_31] : memref<5000x64xf32, #tpu.memory_space<vmem>>, vector<5000x64xf32>
    tpu.vector_store %arg6[%swap3A, %swap3A_31], %dot_general3A_30 {strides = array<i32>} : memref<5000x64xf32, #tpu.memory_space<vmem>>, vector<5000x64xf32>,
    %get3A_33 = arith.constant 0 : index
    %get3A_34 = arith.constant 0 : index
    %get3A_35 = vector.load %arg5[%get3A_33, %get3A_34] : memref<64x32xf32, #tpu.memory_space<vmem>>, vector<64x32xf32>
    %dot_general3A_36 = arith.constant dense<0.000000e+00> : vector<5000x64xf32>
    %dot_general3A_37 = tpu.matmul %max3A_26, %get3A_35, %dot_general3A_36 {dimension_numbers = #tpu.dot_dimension_numbers<[1], [1], [0], [0], [0, 0, 1, 0], [], []>, transpose_lhs_hint = false} : vector<5000x32xf32>, vector<64x32xf32>, vector<5000x64xf32> -> vector<5000x64xf32>
    %swap3A_38 = arith.constant 0 : index
    %swap3A_39 = arith.constant 0 : index
    %swap3A_40 = vector.load %arg7[%swap3A_38, %swap3A_39] : memref<5000x64xf32, #tpu.memory_space<vmem>>, vector<5000x64xf32>
    tpu.vector_store %arg7[%swap3A_38, %swap3A_39], %dot_general3A_37 {strides = array<i32>} : memref<5000x64xf32, #tpu.memory_space<vmem>>, vector<5000x64xf32>,
    return
  }
  func.func @transform_0(%arg0: i32) -> (i32, i32, i32) {
    %c0_i32 = arith.constant 0 : i32
    %c0_i32_0 = arith.constant 0 : i32
    %c0_i32_1 = arith.constant 0 : i32
    return %c0_i32, %arg0, %c0_i32_0 : i32, i32, i32
  }
  func.func @transform_1(%arg0: i32) -> (i32, i32) {
    %c0_i32 = arith.constant 0 : i32
    %c0_i32_0 = arith.constant 0 : i32
    return %arg0, %c0_i32 : i32, i32
  }
  func.func @transform_2(%arg0: i32) -> (i32, i32) {
    %c0_i32 = arith.constant 0 : i32
    %c0_i32_0 = arith.constant 0 : i32
    %c0_i32_1 = arith.constant 0 : i32
    return %c0_i32, %c0_i32_0 : i32, i32
  }
  func.func @transform_3(%arg0: i32) -> (i32, i32) {
    %c0_i32 = arith.constant 0 : i32
    %c0_i32_0 = arith.constant 0 : i32
    %c0_i32_1 = arith.constant 0 : i32
    return %c0_i32, %c0_i32_0 : i32, i32
  }
  func.func @transform_4(%arg0: i32) -> (i32, i32) {
    %c0_i32 = arith.constant 0 : i32
    %c0_i32_0 = arith.constant 0 : i32
    %c0_i32_1 = arith.constant 0 : i32
    return %c0_i32, %c0_i32_0 : i32, i32
  }
  func.func @transform_5(%arg0: i32) -> (i32, i32) {
    %c0_i32 = arith.constant 0 : i32
    %c0_i32_0 = arith.constant 0 : i32
    return %arg0, %c0_i32 : i32, i32
  }
  func.func @transform_6(%arg0: i32) -> (i32, i32) {
    %c0_i32 = arith.constant 0 : i32
    %c0_i32_0 = arith.constant 0 : i32
    return %arg0, %c0_i32 : i32, i32
  }
}

module attributes {stable_mosaic.version = 14 : i64} {
  func.func @_ep2_body(%arg0: i32, %arg1: memref<2x5000x64xf32, #tpu.memory_space<vmem>>, %arg2: memref<2x5000x48xf32, #tpu.memory_space<vmem>>, %arg3: memref<5000x64xf32, #tpu.memory_space<vmem>>, %arg4: memref<1x64xf32, #tpu.memory_space<vmem>>, %arg5: memref<5000x64xf32, #tpu.memory_space<vmem>>) attributes {dimension_semantics = [#tpu.dimension_semantics<arbitrary>], iteration_bounds = array<i64: 2>, scalar_prefetch = 0 : i64, scratch_operands = 0 : i64, tpu.core_type = #tpu.core_type<tc>, window_params = [{transform_indices = @transform_0, window_bounds = array<i64: 2, 5000, 64>}, {transform_indices = @transform_1, window_bounds = array<i64: 2, 5000, 48>}, {transform_indices = @transform_2, window_bounds = array<i64: 5000, 64>}, {pipeline_mode = #tpu.pipeline_mode<synchronous>, transform_indices = @transform_3, window_bounds = array<i64: 1, 64>}, {transform_indices = @transform_4, window_bounds = array<i64: 5000, 64>}]} {
    %get3A = arith.constant 0 : index
    %get3A_0 = arith.constant 0 : index
    %get3A_1 = arith.constant 0 : index
    %get3A_2 = vector.load %arg2[%get3A, %get3A_0, %get3A_1] : memref<2x5000x48xf32, #tpu.memory_space<vmem>>, vector<1x5000x48xf32>
    %get3A_3 = vector.shape_cast %get3A_2 : vector<1x5000x48xf32> to vector<5000x48xf32>
    %get3A_4 = arith.constant 1 : index
    %get3A_5 = arith.constant 0 : index
    %get3A_6 = arith.constant 0 : index
    %get3A_7 = vector.load %arg2[%get3A_4, %get3A_5, %get3A_6] : memref<2x5000x48xf32, #tpu.memory_space<vmem>>, vector<1x5000x48xf32>
    %get3A_8 = vector.shape_cast %get3A_7 : vector<1x5000x48xf32> to vector<5000x48xf32>
    %add3A = arith.addf %get3A_3, %get3A_8 : vector<5000x48xf32>
    %slice3A = vector.extract_strided_slice %add3A {offsets = [0, 32], sizes = [5000, 1], strides = [1, 1]} : vector<5000x48xf32> to vector<5000x1xf32>
    %max3A = arith.constant 1.000000e+00 : f32
    %max3A_9 = vector.broadcast %max3A : f32 to vector<5000x1xf32>
    %max3A_10 = arith.maximumf %slice3A, %max3A_9 : vector<5000x1xf32>
    %div3A = arith.constant 1.000000e+00 : f32
    %div3A_11 = vector.broadcast %div3A : f32 to vector<5000x1xf32>
    %div3A_12 = arith.divf %div3A_11, %max3A_10 : vector<5000x1xf32>
    %get3A_13 = arith.constant 0 : index
    %get3A_14 = arith.constant 0 : index
    %get3A_15 = arith.constant 0 : index
    %get3A_16 = vector.load %arg1[%get3A_13, %get3A_14, %get3A_15] : memref<2x5000x64xf32, #tpu.memory_space<vmem>>, vector<1x5000x64xf32>
    %get3A_17 = vector.shape_cast %get3A_16 : vector<1x5000x64xf32> to vector<5000x64xf32>
    %get3A_18 = arith.constant 1 : index
    %get3A_19 = arith.constant 0 : index
    %get3A_20 = arith.constant 0 : index
    %get3A_21 = vector.load %arg1[%get3A_18, %get3A_19, %get3A_20] : memref<2x5000x64xf32, #tpu.memory_space<vmem>>, vector<1x5000x64xf32>
    %get3A_22 = vector.shape_cast %get3A_21 : vector<1x5000x64xf32> to vector<5000x64xf32>
    %add3A_23 = arith.addf %get3A_17, %get3A_22 : vector<5000x64xf32>
    %mul3A = vector.broadcast %div3A_12 : vector<5000x1xf32> to vector<5000x64xf32>
    %mul3A_24 = arith.mulf %add3A_23, %mul3A : vector<5000x64xf32>
    %get3A_25 = arith.constant 0 : index
    %get3A_26 = arith.constant 0 : index
    %get3A_27 = vector.load %arg4[%get3A_25, %get3A_26] : memref<1x64xf32, #tpu.memory_space<vmem>>, vector<1x64xf32>
    %add3A_28 = vector.broadcast %get3A_27 : vector<1x64xf32> to vector<5000x64xf32>
    %add3A_29 = arith.addf %mul3A_24, %add3A_28 : vector<5000x64xf32>
    %get3A_30 = arith.constant 0 : index
    %get3A_31 = arith.constant 0 : index
    %get3A_32 = vector.load %arg3[%get3A_30, %get3A_31] : memref<5000x64xf32, #tpu.memory_space<vmem>>, vector<5000x64xf32>
    %add3A_33 = arith.addf %add3A_29, %get3A_32 : vector<5000x64xf32>
    %swap3A = arith.constant 0 : index
    %swap3A_34 = arith.constant 0 : index
    %swap3A_35 = vector.load %arg5[%swap3A, %swap3A_34] : memref<5000x64xf32, #tpu.memory_space<vmem>>, vector<5000x64xf32>
    tpu.vector_store %arg5[%swap3A, %swap3A_34], %add3A_33 {strides = array<i32>} : memref<5000x64xf32, #tpu.memory_space<vmem>>, vector<5000x64xf32>,
    return
  }
  func.func @transform_0(%arg0: i32) -> (i32, i32, i32) {
    %c0_i32 = arith.constant 0 : i32
    %c0_i32_0 = arith.constant 0 : i32
    %c0_i32_1 = arith.constant 0 : i32
    return %c0_i32, %arg0, %c0_i32_0 : i32, i32, i32
  }
  func.func @transform_1(%arg0: i32) -> (i32, i32, i32) {
    %c0_i32 = arith.constant 0 : i32
    %c0_i32_0 = arith.constant 0 : i32
    %c0_i32_1 = arith.constant 0 : i32
    return %c0_i32, %arg0, %c0_i32_0 : i32, i32, i32
  }
  func.func @transform_2(%arg0: i32) -> (i32, i32) {
    %c0_i32 = arith.constant 0 : i32
    %c0_i32_0 = arith.constant 0 : i32
    return %arg0, %c0_i32 : i32, i32
  }
  func.func @transform_3(%arg0: i32) -> (i32, i32) {
    %c0_i32 = arith.constant 0 : i32
    %c0_i32_0 = arith.constant 0 : i32
    %c0_i32_1 = arith.constant 0 : i32
    return %c0_i32, %c0_i32_0 : i32, i32
  }
  func.func @transform_4(%arg0: i32) -> (i32, i32) {
    %c0_i32 = arith.constant 0 : i32
    %c0_i32_0 = arith.constant 0 : i32
    return %arg0, %c0_i32 : i32, i32
  }
}

</mosaic_0001>

<sc_bundles>
// kernel: kernel.10.cloned.1.call-start
scs
__scs_entry_jumppad:
0x0: {  	(pc) =	sbr.rel $0x88, $3  }
0x1: {  	(tag) =	ssettag $0x0;
	lr =	simm.s32 $0x1  }
0x2: {  	[smem:$0x3F99] =	sst lr;
	_ =	strace $0xD0000000  }
0x3: {  	_ = 	snop  }
0x4: {  	_ = 	snop  }
0x5: {  	_ = 	snop  }
0x6: {  	_ = 	snop  }
0x7: {  	_ = 	snop  }
__scs_overlays_trampoline_lowered:
0x8: {  	[smem:$0x3FA8] =	sst s0  }
0x9: {  	[smem:$0x3FA9] =	sst s1  }
0xa: {  	[smem:$0x3FAA] =	sst s2  }
0xb: {  	[smem:$0x3FAB] =	sst s3  }
0xc: {  	[smem:$0x3FAC] =	sst s4  }
0xd: {  	[smem:$0x3FAD] =	sst s5  }
0xe: {  	[smem:$0x3FAE] =	sst s6  }
0xf: {  	[smem:$0x3FAF] =	sst s7  }
0x10: {  	[smem:$0x3FB0] =	sst s8  }
0x11: {  	[smem:$0x3FB1] =	sst s9;
	s0 =	simm.s32 @!p0 $0x0  }
0x12: {  	s1 =	sld [smem:$0x3F97];
	s0 =	simm.s32 @p0 $0x1  }
0x13: {  	[smem:$0x3FB2] =	sst s0;
	s0 =	simm.s32 @!p1 $0x0  }
0x14: {  	s2 =	sld [smem:$0x3F96];
	s0 =	simm.s32 @p1 $0x1  }
0x15: {  	[smem:$0x3FB3] =	sst s0;
	s0 =	simm.s32 @!p2 $0x0  }
0x16: {  	s3 =	sld [smem:$0x3FDB];
	s0 =	simm.s32 @p2 $0x1  }
0x17: {  	s4 =	simm.s32 $0x1BF5;
	[smem:$0x3FB5] =	sst s0  }
0x18: {  	s0 =	sld [smem:$0x3F98];
	_ =	swait.ge [sflag:s4], $0x0  }
0x19: {  	s7 =	sld [smem:$0x3F99]  }
0x1a: {  	s8 =	sadd.s32 $0xFFFFE003, lr  }
0x1b: {  	s9 =	sadd.s32 $0xFFFFFEF7, lr;
	s5 =	simm.s32 $0xFFFFFFFF;
	p2 =	slt.u32 s8, $0xFFFFF086  }
0x1c: {  	p1 =	slt.u32 s9, $0xF7A;
	s5 =	simm.s32 @!p2 $0x0  }
0x1d: {  	s5 =	simm.s32 @p1 $0x1;
	p0 =	seq.s32 s7, s2  }
0x1e: {  	s7 =	smul.u32 @!p0 $0xF7A, s2;
	p2 =	seq.s32 @!p0 s5, $0x0  }
0x1f: {  	s9 =	smul.u32 $0xF7A, s1;
	s8 =	simm.s32 @!p0 $0x1BF5;
	p2 =	por !p2, p0  }
0x20: {  	[sflag:s8] =	ssyncset.s32 @!p0 $0xFFFFF086;
	s6 =	sadd.s32 @!p0 s3, s7;
	s7 =	simm.s32 @!p0 $0x108  }
0x21: {  	s3 =	sadd.s32 s3, s9;
	s6 =	sadd.s32 @!p0 $0x88, s6;
	s7 =	simm.s32 @p2 $0x1082  }
0x22: {  	[simem:s7], [sflag:s8] =	dma.local @!p0 [hbm:s6], $0xF7A  }
0x23: {  	s9 =	sor.u32 $0xD0000000, s2;
	s6 =	simm.s32 $0x108;
	_ =	swait.ge @!p0 [sflag:s8], $0x0  }
0x24: {  	s3 =	sadd.s32 $0x88, s3;
	s6 =	simm.s32 @!p1 $0x1082;
	[sflag:s4] =	ssyncset.s32 $0xFFFFF086  }
0x25: {  	[simem:s6], [sflag:s4] =	dma.local [hbm:s3], $0xF7A  }
0x26: {  	[smem:$0x3F99] =	sst s1;
	(tag) =	ssettag s2;
	_ =	strace s9  }
0x27: {  	s1 =	sld [smem:$0x3FA9]  }
0x28: {  	s2 =	sld [smem:$0x3FAA]  }
0x29: {  	s4 =	sld [smem:$0x3FAC]  }
0x2a: {  	p0 =	seq.s32 s5, $0x0;
	s5 =	sld [smem:$0x3FAD]  }
0x2b: {  	s6 =	sld [smem:$0x3FAE]  }
0x2c: {  	s7 =	sld [smem:$0x3FAF]  }
0x2d: {  	s3 =	simm.s32 $0x108;
	s8 =	sld [smem:$0x3FB0]  }
0x2e: {  	s3 =	simm.s32 @!p0 $0x1082;
	s9 =	sld [smem:$0x3FB1]  }
0x2f: {  	lr =	sadd.s32 s0, s3;
	s0 =	sld [smem:$0x3FA8]  }
0x30: {  	s3 =	sld [smem:$0x3FAB]  }
0x31: {  	[smem:$0x3FB4] =	sst s10  }
0x32: {  	s10 =	sld [smem:$0x3FB2];
	_ =	sdelay $0x3  }
0x33: {  	p0 =	seq.s32 s10, $0x1;
	s10 =	sld [smem:$0x3FB4];
	_ =	sdelay $0x3  }
0x34: {  	[smem:$0x3FB4] =	sst s10  }
0x35: {  	s10 =	sld [smem:$0x3FB3];
	_ =	sdelay $0x3  }
0x36: {  	p1 =	seq.s32 s10, $0x1;
	s10 =	sld [smem:$0x3FB4];
	_ =	sdelay $0x3  }
0x37: {  	[smem:$0x3FB4] =	sst s10  }
0x38: {  	s10 =	sld [smem:$0x3FB5]  }
0x39: {  	_ = 	snop;
	(pc) =	sbr.ind lr, $3  }
0x3a: {  	_ = 	snop  }
0x3b: {  	_ = 	snop  }
0x3c: {  	p2 =	seq.s32 s10, $0x1;
	s10 =	sld [smem:$0x3FB4]  }
0x3d: {  	_ =	shalt  }
0x3e: {  	_ =	shalt  }
0x3f: {  	_ =	shalt  }
0x40: {  	_ =	shalt  }
0x41: {  	_ =	shalt  }
0x42: {  	_ =	shalt  }
0x43: {  	_ =	shalt  }
0x44: {  	_ =	shalt  }
0x45: {  	_ =	shalt  }
0x46: {  	_ =	shalt  }
0x47: {  	_ =	shalt  }
0x48: {  	_ =	shalt  }
0x49: {  	_ =	shalt  }
0x4a: {  	_ =	shalt  }
0x4b: {  	_ =	shalt  }
0x4c: {  	_ =	shalt  }
0x4d: {  	_ =	shalt  }
0x4e: {  	_ =	shalt  }
0x4f: {  	_ =	shalt  }
0x50: {  	_ =	shalt  }
0x51: {  	_ =	shalt  }
0x52: {  	_ =	shalt  }
0x53: {  	_ =	shalt  }
0x54: {  	_ =	shalt  }
0x55: {  	_ =	shalt  }
0x56: {  	_ =	shalt  }
0x57: {  	_ =	shalt  }
0x58: {  	_ =	shalt  }
0x59: {  	_ =	shalt  }
0x5a: {  	_ =	shalt  }
0x5b: {  	_ =	shalt  }
0x5c: {  	_ =	shalt  }
0x5d: {  	_ =	shalt  }
0x5e: {  	_ =	shalt  }
0x5f: {  	_ =	shalt  }
0x60: {  	_ =	shalt  }
0x61: {  	_ =	shalt  }
0x62: {  	_ =	shalt  }
0x63: {  	_ =	shalt  }
0x64: {  	_ =	shalt  }
0x65: {  	_ =	shalt  }
0x66: {  	_ =	shalt  }
0x67: {  	_ =	shalt  }
0x68: {  	_ =	shalt  }
0x69: {  	_ =	shalt  }
0x6a: {  	_ =	shalt  }
0x6b: {  	_ =	shalt  }
0x6c: {  	_ =	shalt  }
0x6d: {  	_ =	shalt  }
0x6e: {  	_ =	shalt  }
0x6f: {  	_ =	shalt  }
0x70: {  	_ =	shalt  }
0x71: {  	_ =	shalt  }
0x72: {  	_ =	shalt  }
0x73: {  	_ =	shalt  }
0x74: {  	_ =	shalt  }
0x75: {  	_ =	shalt  }
0x76: {  	_ =	shalt  }
0x77: {  	_ =	shalt  }
0x78: {  	_ =	shalt  }
0x79: {  	_ =	shalt  }
0x7a: {  	_ =	shalt  }
0x7b: {  	_ =	shalt  }
0x7c: {  	_ =	shalt  }
0x7d: {  	_ =	shalt  }
0x7e: {  	_ =	shalt  }
0x7f: {  	_ =	shalt  }
0x80: {  	_ =	shalt  }
0x81: {  	_ =	shalt  }
0x82: {  	_ =	shalt  }
0x83: {  	_ =	shalt  }
0x84: {  	_ =	shalt  }
0x85: {  	_ =	shalt  }
0x86: {  	_ =	shalt  }
0x87: {  	_ =	shalt  }
.Lfunc_end0:
.L_simem_size_0:
called_computation.1_lowered:
.L_overlay_start_0:
0x88: {  	s2 =	sld [smem:$0x3FD9]  }
0x89: {  	s3 =	sld [smem:$0x3FFE];
	_ =	sdelay $0x1  }
0x8a: {  	s1 =	srdreg.scid  }
0x8b: {  	s0 =	sand.u32 $0x1, s1  }
0x8c: {  	s17 =	sshll.u32 s0, $0xA;
	s2 =	sadd.s32 s3, s2  }
0x8d: {  	s2 =	sadd.s32 s2, s17  }
0x8e: {  	[smem:$0x3FC0] =	sst s2  }
0x8f: {  	_ = 	snop  }
0x90: {  	s2 =	sld [smem:$0x3FD0];
	(tm) =	ssettm $0x1  }
0x91: {  	s18 =	sld [smem:$0x3FFB];
	_ =	sdelay $0x3  }
0x92: {  	_ =	strace s18  }
0x93: {  	s3 =	sld [smem:$0x3FFC];
	_ =	sdelay $0x3  }
0x94: {  	_ =	strace s3  }
0x95: {  	s3 =	sld [smem:$0x3FFD];
	_ =	sdelay $0x3  }
0x96: {  	_ =	strace s3  }
0x97: {  	_ =	strace $0x8FFFFFFF  }
0x98: {  	s19 =	sld [smem:$0x3FDB];
	_ =	sdelay $0x1  }
0x99: {  	s4 =	simm.s32 $_scs_section_size  }
0x9a: {  	s5 =	simm.s32 $_size__tile_overlayer_lowered;
	s6 =	simm.s32 $_tile_overlayer_lowered  }
0x9b: {  	s22 =	simm.s32 $0x1BFF;
	s21 =	sshll.u32 s6, $0x1;
	s3 =	sadd.s32 s4, s19  }
0x9c: {  	s7 =	simm.s32 $0x0;
	s20 =	sshll.u32 s5, $0x1;
	s5 =	sadd.s32 s21, s3  }
0x9d: {  	[timem:s7], [sflag:s22] =	dma.local [hbm:s5], s20  }
0x9e: {  	_ =	swait.ge [sflag:s22], s20  }
0x9f: {  	s4 =	ssub.s32 $0x0, s20;
	[sflag:s22] =	ssyncset.done $0x0  }
0xa0: {  	[sflag:s22] =	ssyncadd.s32 s4;
	_ =	sdelay $0x1  }
0xa1: {  	s23 =	simm.s32 $0x1B8B  }
0xa2: {  	_ =	swait.ge [sflag:s23], $0x1  }
0xa3: {  	[sflag:s23] =	ssyncset.done $0x0  }
0xa4: {  	s25 =	simm.s32 $0x1B8E;
	s24 =	sld [smem:$0x3FFE];
	[sflag:s23] =	ssyncadd.s32 $0xFFFFFFFF  }
0xa5: {  	s26 =	simm.s32 $execute0_lowered;
	[smem:$0x3FD2] =	sst s25  }
0xa6: {  	s5 =	sshll.u32 s26, $0x1;
	_ =	strace $0x80000049;
	[dreg:$0x1] =	wrdreg $0xFFFFFFFF  }
0xa7: {  	s28 =	simm.s32 $_size_execute0_lowered;
	s3 =	sadd.s32 s3, s5;
	[dreg:$0x0] =	wrdreg $0x0  }
0xa8: {  	s5 =	sshll.u32 s28, $0x1;
	[dreg:$0x2] =	wrdreg s3  }
0xa9: {  	[dreg:$0x3] =	wrdreg s5  }
0xaa: {  	[dreg:$0x4] =	wrdreg $0xC0  }
0xab: {  	_ =	task [dreg:s7], $0x5FFFF  }
0xac: {  	[dreg:$0x1] =	wrdreg $0xFFFFFFFF  }
0xad: {  	[dreg:$0x0] =	wrdreg $0x60  }
0xae: {  	[dreg:$0x2] =	wrdreg s24  }
0xaf: {  	[dreg:$0x3] =	wrdreg s2  }
0xb0: {  	[dreg:$0x4] =	wrdreg $0x12E000  }
0xb1: {  	[dreg:$0x5] =	wrdreg $0x9  }
0xb2: {  	_ =	task.clear_ibuf [dreg:s7], $0x6FFFF;
	_ =	strace $0x90000049  }
0xb3: {  	s29 =	simm.s32 $0x9;
	_ =	strace $0x8000004B  }
0xb4: {  	_ =	swait.ge [sflag:s29], $0x1  }
0xb5: {  	[sflag:s29] =	ssyncadd.s32 $0xFFFFFFFF  }
0xb6: {  	_ =	strace $0x9000004B  }
0xb7: {  	_ =	sfence  }
0xb8: {  	s30 =	sld [smem:$0x0];
	_ =	sdelay $0x2  }
0xb9: {  	s31 =	sshll.u32 s1, $0xD;
	s1 =	sshrl.u32 s1, $0x2  }
0xba: {  	s3 =	sand.u32 $0x4000, s31;
	s1 =	sadd.s32 s1, s30  }
0xbb: {  	s0 =	sor.u32 s3, s0;
	s1 =	sshll.u32 s1, $0x11  }
0xbc: {  	s0 =	sor.u32 s1, s0  }
0xbd: {  	s0 =	sadd.s32 $0x8F2B, s0  }
0xbe: {  	[sflag:s0] =	ssyncadd.remote.s32 $0x1  }
0xbf: {  	_ =	sfence.sel $0xFFFF  }
0xc0: {  	[dreg:$0x0] =	wrdreg $0xFFFFFFFF;
	(pc) =	sbr.abs _section_cstart, $3  }
0xc1: {  	[dreg:$0x1] =	wrdreg $0xFFFFFFFF  }
0xc2: {  	_ =	task.clear_ibuf [dreg:s7], $0x2FFFF;
	_ =	strace $0x9FFFFFFF  }
0xc3: {  	(tm) =	ssettm $0x7FFFFFFF  }
tec
execute0_lowered:
.L_overlay_start_1:
0x0: {  	(tag) =	ssettag $0x1  }
0x1: {  	s5 =	rddreg [dreg:$0x0]  }
0x2: {  	s7 =	rddreg [dreg:$0x1]  }
0x3: {  	s2 =	rddreg [dreg:$0x2]  }
0x4: {  	s0 =	rddreg [dreg:$0x3];
	s3 =	srdreg.scid  }
0x5: {  	s1 =	stileid.u32;
	s12 =	simm.s32 $0x2800;
	s13 =	simm.s32 $0x80  }
0x6: {  	s14 =	simm.s32 $0x5000;
	s15 =	simm.s32 $0x7000;
	s16 =	simm.s32 $0x9000  }
0x7: {  	s17 =	simm.s32 $0x1;
	s18 =	simm.s32 $0x2;
	s19 =	simm.s32 $0x4F00  }
0x8: {  	s20 =	simm.s32 $0x4F80;
	s21 =	simm.s32 $0x0;
	s4 =	sand.u32 $0x1, s3  }
0x9: {  	s6 =	sshll.u32 s1, $0x1;
	s8 =	smul.u32 $0x9E00, s1;
	s3 =	simm.s32 $0x0  }
0xa: {  	s6 =	sor.u32 s4, s6;
	s9 =	smul.u32 $0x9E000, s4;
	[smem:$0x7FF] =	sst s3  }
0xb: {  	s10 =	ssub.s32 $0x2, s4;
	s4 =	sadd.s32 $0x15800, s5;
	s6 =	smul.u32 $0x500, s6  }
0xc: {  	_ =	strace $0x8000004A;
	s11 =	sshrl.u32 s10, $0x1;
	s31 =	sshrl.u32 s8, $0x3  }
0xd: {  	s9 =	sadd.s32 s8, s9;
	s10 =	ssub.s32 s10, s11;
	s7 =	sadd.s32 s7, s31  }
0xe: {  	s8 =	sadd.s32 s8, s2;
	s11 =	simm.s32 $0x3;
	s9 =	sshrl.u32 s9, $0x3  }
0xf: {  	s6 =	sadd.s32 s6, s5;
	s10 =	smax.u32 s10, $0x1;
	s9 =	sadd.s32 s9, s5  }
0x10: {  	s5 =	sadd.s32 $0xB800, s6;
	s6 =	sadd.s32 $0x1800, s6;
	s9 =	sadd.s32 $0x90E00, s9  }
.LBB2_1:
0x11: {  	[tilespmem:s3], [sflag:$0x3] =	stream.linear.gather [hbm4b:s5+s3], $0x2800, $0x38;
	[tilespmem:$0x1CC00] =	vst v63  }
0x12: {  	_ =	swait.ge [sflag:s11], $0x2800  }
0x13: {  	[sflag:s11] =	ssyncset.done $0x0  }
0x14: {  	[sflag:s11] =	ssyncadd.s32 $0xFFFFD800  }
0x15: {  	[tilespmem:s12], [sflag:$0x3] =	stream.linear.gather [hbm4b:s6+s3], $0x2800, $0x38;
	[tilespmem:$0x1CC00] =	vst v63  }
0x16: {  	_ =	swait.ge [sflag:s11], $0x2800  }
0x17: {  	[sflag:s11] =	ssyncset.done $0x0  }
0x18: {  	[sflag:s11] =	ssyncadd.s32 $0xFFFFD800  }
0x19: {  	[tilespmem:s14], [sflag:$0x1] =	stream.indirect.gather [hbm4b:s4+s13], $0x40, s3, s13, $0xb8;
	[tilespmem:$0x1CC00] =	vst v63  }
0x1a: {  	_ = 	snop  }
0x1b: {  	[tilespmem:s15], [sflag:$0x2] =	stream.indirect.gather [hbm4b:s4+s13], $0x40, s13, s13, $0xb8;
	[tilespmem:$0x1CC00] =	vst v63  }
0x1c: {  	_ = 	snop  }
0x1d: {  	[tilespmem:s16], [sflag:$0x3] =	stream.linear.gather [hbm4b:s7+s3], $0x9E00, $0x38;
	[tilespmem:$0x1CC00] =	vst v63  }
0x1e: {  	_ =	swait.ge [sflag:s11], $0x9E00  }
0x1f: {  	[sflag:s11] =	ssyncset.done $0x0  }
0x20: {  	[sflag:s11] =	ssyncadd.s32 $0xFFFF6200  }
0x21: {  	[spmem:s8] =	stream.linear.scatter [tilespmem:s16], [sflag:$0x3], $0x9E00, $0x38;
	[tilespmem:$0x1CC00] =	vst v63  }
0x22: {  	_ =	swait.ge [sflag:s11], $0x9E00  }
0x23: {  	[sflag:s11] =	ssyncset.done $0x0  }
0x24: {  	[sflag:s11] =	ssyncadd.s32 $0xFFFF6200  }
0x25: {  	[bflag:$0x0] =	sbarrier.arrive $0xFFFF  }
0x26: {  	_ =	swait.ge [sflag:s17], $0x2000  }
0x27: {  	[sflag:s17] =	ssyncset.done $0x0  }
0x28: {  	s22 =	simm.s32 $0x2800;
	[sflag:s17] =	ssyncadd.s32 $0xFFFFE000  }
0x29: {  	[spmem:s2] =	stream.indirect.scatter.add.f32 [tilespmem:s14], [sflag:$0x3], $0x40, s22, s13, $0xb8;
	[tilespmem:$0x1CC00] =	vst v63  }
0x2a: {  	_ =	swait.ge [sflag:s11], $0x2000  }
0x2b: {  	[sflag:s11] =	ssyncset.done $0x0  }
0x2c: {  	s30 =	simm.s32 $0x100;
	[sflag:s11] =	ssyncadd.s32 $0xFFFFE000  }
0x2d: {  	[tilespmem:s14], [sflag:$0x1] =	stream.indirect.gather [hbm4b:s4+s13], $0x40, s30, s13, $0xb8;
	[tilespmem:$0x1CC00] =	vst v63  }
0x2e: {  	_ =	swait.ge [sflag:s18], $0x2000  }
0x2f: {  	[sflag:s18] =	ssyncset.done $0x0  }
0x30: {  	s31 =	simm.s32 $0x2880;
	[sflag:s18] =	ssyncadd.s32 $0xFFFFE000  }
0x31: {  	[spmem:s2] =	stream.indirect.scatter.add.f32 [tilespmem:s15], [sflag:$0x3], $0x40, s31, s13, $0xb8;
	[tilespmem:$0x1CC00] =	vst v63  }
0x32: {  	_ =	swait.ge [sflag:s11], $0x2000  }
0x33: {  	[sflag:s11] =	ssyncset.done $0x0  }
0x34: {  	s23 =	simm.s32 $0x180;
	s22 =	simm.s32 $0x400;
	[sflag:s11] =	ssyncadd.s32 $0xFFFFE000  }
.LBB2_2:
0x35: {  	[tilespmem:s15], [sflag:$0x2] =	stream.indirect.gather [hbm4b:s4+s13], $0x40, s23, s13, $0xb8;
	[tilespmem:$0x1CC00] =	vst v63  }
0x36: {  	s23 =	smov.u32 s22  }
0x37: {  	p0 =	sne.s32 s22, $0x9800;
	s22 =	sadd.s32 $0x400, s22;
	_ =	swait.ge [sflag:s17], $0x2000  }
0x38: {  	s23 =	sshra.s32 s23, $0x2;
	[sflag:s17] =	ssyncset.done $0x0  }
0x39: {  	s24 =	sadd.s32 $0x2800, s23;
	[sflag:s17] =	ssyncadd.s32 $0xFFFFE000  }
0x3a: {  	[spmem:s2] =	stream.indirect.scatter.add.f32 [tilespmem:s14], [sflag:$0x3], $0x40, s24, s13, $0xb8;
	[tilespmem:$0x1CC00] =	vst v63  }
0x3b: {  	_ =	swait.ge [sflag:s11], $0x2000  }
0x3c: {  	[sflag:s11] =	ssyncset.done $0x0  }
0x3d: {  	s24 =	sadd.s32 $0x100, s23;
	[sflag:s11] =	ssyncadd.s32 $0xFFFFE000  }
0x3e: {  	[tilespmem:s14], [sflag:$0x1] =	stream.indirect.gather [hbm4b:s4+s13], $0x40, s24, s13, $0xb8;
	[tilespmem:$0x1CC00] =	vst v63  }
0x3f: {  	_ =	swait.ge [sflag:s18], $0x2000  }
0x40: {  	[sflag:s18] =	ssyncset.done $0x0  }
.Ltmp0:
0x41: {  	s24 =	sadd.s32 $0x2880, s23;
	[sflag:s18] =	ssyncadd.s32 $0xFFFFE000;
	(pc) =	sbr.rel @p0 .LBB2_2-.Ltmp0, $4  }
0x42: {  	[spmem:s2] =	stream.indirect.scatter.add.f32 [tilespmem:s15], [sflag:$0x3], $0x40, s24, s13, $0xb8;
	[tilespmem:$0x1CC00] =	vst v63  }
0x43: {  	_ =	swait.ge [sflag:s11], $0x2000  }
0x44: {  	[sflag:s11] =	ssyncset.done $0x0  }
0x45: {  	s23 =	sadd.s32 $0x180, s23;
	[sflag:s11] =	ssyncadd.s32 $0xFFFFE000  }
0x46: {  	[tilespmem:s15], [sflag:$0x2] =	stream.indirect.gather [hbm4b:s4+s13], $0x40, s23, s13, $0xb8;
	[tilespmem:$0x1CC00] =	vst v63  }
0x47: {  	_ =	swait.ge [sflag:s17], $0x2000  }
0x48: {  	[sflag:s17] =	ssyncset.done $0x0  }
0x49: {  	[sflag:s17] =	ssyncadd.s32 $0xFFFFE000  }
0x4a: {  	[spmem:s2] =	stream.indirect.scatter.add.f32 [tilespmem:s14], [sflag:$0x3], $0x40, s19, s13, $0xb8;
	[tilespmem:$0x1CC00] =	vst v63  }
0x4b: {  	_ =	swait.ge [sflag:s11], $0x2000  }
0x4c: {  	[sflag:s11] =	ssyncset.done $0x0  }
0x4d: {  	[sflag:s11] =	ssyncadd.s32 $0xFFFFE000  }
0x4e: {  	_ =	swait.ge [sflag:s18], $0x2000  }
0x4f: {  	[sflag:s18] =	ssyncset.done $0x0  }
0x50: {  	[sflag:s18] =	ssyncadd.s32 $0xFFFFE000  }
0x51: {  	[spmem:s2] =	stream.indirect.scatter.add.f32 [tilespmem:s15], [sflag:$0x3], $0x40, s20, s13, $0xb8;
	[tilespmem:$0x1CC00] =	vst v63  }
0x52: {  	_ =	swait.ge [sflag:s11], $0x2000  }
0x53: {  	[sflag:s11] =	ssyncset.done $0x0  }
0x54: {  	[sflag:s11] =	ssyncadd.s32 $0xFFFFE000  }
0x55: {  	[bflag:$0x0] =	sbarrier.arrive $0xFFFF  }
0x56: {  	[tilespmem:s16], [sflag:$0x3] =	stream.linear.gather [spmem:s8], $0x9E00, $0x38;
	[tilespmem:$0x1CC00] =	vst v63  }
0x57: {  	s21 =	sadd.s32 $0x1, s21;
	_ =	swait.ge [sflag:s11], $0x9E00  }
0x58: {  	p0 =	sne.s32 s21, s10;
	[sflag:s11] =	ssyncset.done $0x0  }
.Ltmp1:
0x59: {  	[sflag:s11] =	ssyncadd.s32 $0xFFFF6200;
	(pc) =	sbr.rel @p0 .LBB2_1-.Ltmp1, $4  }
0x5a: {  	[hbm4b:s9+s3] =	stream.linear.scatter [tilespmem:s16], [sflag:$0x3], $0x9E00, $0x38;
	[tilespmem:$0x1CC00] =	vst v63  }
0x5b: {  	_ =	swait.ge [sflag:s11], $0x9E00  }
0x5c: {  	[sflag:s11] =	ssyncset.done $0x0  }
0x5d: {  	[sflag:s11] =	ssyncadd.s32 $0xFFFF6200  }
0x5e: {  	_ =	sfence.sel $0x180000  }
0x5f: {  	[bflag:$0x0] =	sbarrier.arrive $0xFFFF  }
0x60: {  	p0 =	sne.s32 s1, $0x0;
	_ =	strace $0x9000004A  }
0x61: {  	s0 =	sadd.s32 @!p0 $0x100000, s0;
	[bflag:$0x2] =	sbarrier.arrive $0xFFFF  }
0x62: {  	[sflag:s0] =	ssyncadd.tile.s32 @!p0 $0x1;
	_ =	shalt  }
.Lfunc_end2:
_tile_overlayer_lowered:
.L_overlay_start_2:
0x63: {  	(tag) =	ssettag $0x2  }
0x64: {  	s0 =	rddreg [dreg:$0x0];
	s2 =	stileid.u32  }
0x65: {  	s1 =	rddreg [dreg:$0x1];
	p0 =	sne.s32 s2, $0x0  }
0x66: {  	s3 =	rddreg [dreg:$0x2];
	[bflag:$0x3] =	sbarrier.arrive $0xFFFF;
	s2 =	simm.s32 @!p0 $0x1C03  }
0x67: {  	[timem:s3], [sflag:s2] =	dma.local @!p0 [hbm:s0], s1  }
0x68: {  	s0 =	simm.s32 @!p0 $0x3  }
0x69: {  	_ =	swait.ge @!p0 [sflag:s0], s1  }
0x6a: {  	s1 =	ssub.s32 @!p0 $0x0, s1;
	[sflag:s0] =	ssyncset.done @!p0 $0x0  }
0x6b: {  	[sflag:s0] =	ssyncadd.s32 @!p0 s1  }
0x6c: {  	[bflag:$0x3] =	sbarrier.arrive $0xFFFF  }
0x6d: {  	_ =	shalt  }

// kernel: kernel.7.cloned.1.call-start
scs
__scs_entry_jumppad:
0x0: {  	(pc) =	sbr.rel $0x88, $3  }
0x1: {  	(tag) =	ssettag $0x0;
	lr =	simm.s32 $0x1  }
0x2: {  	[smem:$0x3F99] =	sst lr;
	_ =	strace $0xD0000000  }
0x3: {  	_ = 	snop  }
0x4: {  	_ = 	snop  }
0x5: {  	_ = 	snop  }
0x6: {  	_ = 	snop  }
0x7: {  	_ = 	snop  }
__scs_overlays_trampoline_lowered:
0x8: {  	[smem:$0x3FA8] =	sst s0  }
0x9: {  	[smem:$0x3FA9] =	sst s1  }
0xa: {  	[smem:$0x3FAA] =	sst s2  }
0xb: {  	[smem:$0x3FAB] =	sst s3  }
0xc: {  	[smem:$0x3FAC] =	sst s4  }
0xd: {  	[smem:$0x3FAD] =	sst s5  }
0xe: {  	[smem:$0x3FAE] =	sst s6  }
0xf: {  	[smem:$0x3FAF] =	sst s7  }
0x10: {  	[smem:$0x3FB0] =	sst s8  }
0x11: {  	[smem:$0x3FB1] =	sst s9;
	s0 =	simm.s32 @!p0 $0x0  }
0x12: {  	s1 =	sld [smem:$0x3F97];
	s0 =	simm.s32 @p0 $0x1  }
0x13: {  	[smem:$0x3FB2] =	sst s0;
	s0 =	simm.s32 @!p1 $0x0  }
0x14: {  	s2 =	sld [smem:$0x3F96];
	s0 =	simm.s32 @p1 $0x1  }
0x15: {  	[smem:$0x3FB3] =	sst s0;
	s0 =	simm.s32 @!p2 $0x0  }
0x16: {  	s3 =	sld [smem:$0x3FDB];
	s0 =	simm.s32 @p2 $0x1  }
0x17: {  	s4 =	simm.s32 $0x1BF5;
	[smem:$0x3FB5] =	sst s0  }
0x18: {  	s0 =	sld [smem:$0x3F98];
	_ =	swait.ge [sflag:s4], $0x0  }
0x19: {  	s7 =	sld [smem:$0x3F99]  }
0x1a: {  	s8 =	sadd.s32 $0xFFFFE003, lr  }
0x1b: {  	s9 =	sadd.s32 $0xFFFFFEF7, lr;
	s5 =	simm.s32 $0xFFFFFFFF;
	p2 =	slt.u32 s8, $0xFFFFF086  }
0x1c: {  	p1 =	slt.u32 s9, $0xF7A;
	s5 =	simm.s32 @!p2 $0x0  }
0x1d: {  	s5 =	simm.s32 @p1 $0x1;
	p0 =	seq.s32 s7, s2  }
0x1e: {  	s7 =	smul.u32 @!p0 $0xF7A, s2;
	p2 =	seq.s32 @!p0 s5, $0x0  }
0x1f: {  	s9 =	smul.u32 $0xF7A, s1;
	s8 =	simm.s32 @!p0 $0x1BF5;
	p2 =	por !p2, p0  }
0x20: {  	[sflag:s8] =	ssyncset.s32 @!p0 $0xFFFFF086;
	s6 =	sadd.s32 @!p0 s3, s7;
	s7 =	simm.s32 @!p0 $0x108  }
0x21: {  	s3 =	sadd.s32 s3, s9;
	s6 =	sadd.s32 @!p0 $0x88, s6;
	s7 =	simm.s32 @p2 $0x1082  }
0x22: {  	[simem:s7], [sflag:s8] =	dma.local @!p0 [hbm:s6], $0xF7A  }
0x23: {  	s9 =	sor.u32 $0xD0000000, s2;
	s6 =	simm.s32 $0x108;
	_ =	swait.ge @!p0 [sflag:s8], $0x0  }
0x24: {  	s3 =	sadd.s32 $0x88, s3;
	s6 =	simm.s32 @!p1 $0x1082;
	[sflag:s4] =	ssyncset.s32 $0xFFFFF086  }
0x25: {  	[simem:s6], [sflag:s4] =	dma.local [hbm:s3], $0xF7A  }
0x26: {  	[smem:$0x3F99] =	sst s1;
	(tag) =	ssettag s2;
	_ =	strace s9  }
0x27: {  	s1 =	sld [smem:$0x3FA9]  }
0x28: {  	s2 =	sld [smem:$0x3FAA]  }
0x29: {  	s4 =	sld [smem:$0x3FAC]  }
0x2a: {  	p0 =	seq.s32 s5, $0x0;
	s5 =	sld [smem:$0x3FAD]  }
0x2b: {  	s6 =	sld [smem:$0x3FAE]  }
0x2c: {  	s7 =	sld [smem:$0x3FAF]  }
0x2d: {  	s3 =	simm.s32 $0x108;
	s8 =	sld [smem:$0x3FB0]  }
0x2e: {  	s3 =	simm.s32 @!p0 $0x1082;
	s9 =	sld [smem:$0x3FB1]  }
0x2f: {  	lr =	sadd.s32 s0, s3;
	s0 =	sld [smem:$0x3FA8]  }
0x30: {  	s3 =	sld [smem:$0x3FAB]  }
0x31: {  	[smem:$0x3FB4] =	sst s10  }
0x32: {  	s10 =	sld [smem:$0x3FB2];
	_ =	sdelay $0x3  }
0x33: {  	p0 =	seq.s32 s10, $0x1;
	s10 =	sld [smem:$0x3FB4];
	_ =	sdelay $0x3  }
0x34: {  	[smem:$0x3FB4] =	sst s10  }
0x35: {  	s10 =	sld [smem:$0x3FB3];
	_ =	sdelay $0x3  }
0x36: {  	p1 =	seq.s32 s10, $0x1;
	s10 =	sld [smem:$0x3FB4];
	_ =	sdelay $0x3  }
0x37: {  	[smem:$0x3FB4] =	sst s10  }
0x38: {  	s10 =	sld [smem:$0x3FB5]  }
0x39: {  	_ = 	snop;
	(pc) =	sbr.ind lr, $3  }
0x3a: {  	_ = 	snop  }
0x3b: {  	_ = 	snop  }
0x3c: {  	p2 =	seq.s32 s10, $0x1;
	s10 =	sld [smem:$0x3FB4]  }
0x3d: {  	_ =	shalt  }
0x3e: {  	_ =	shalt  }
0x3f: {  	_ =	shalt  }
0x40: {  	_ =	shalt  }
0x41: {  	_ =	shalt  }
0x42: {  	_ =	shalt  }
0x43: {  	_ =	shalt  }
0x44: {  	_ =	shalt  }
0x45: {  	_ =	shalt  }
0x46: {  	_ =	shalt  }
0x47: {  	_ =	shalt  }
0x48: {  	_ =	shalt  }
0x49: {  	_ =	shalt  }
0x4a: {  	_ =	shalt  }
0x4b: {  	_ =	shalt  }
0x4c: {  	_ =	shalt  }
0x4d: {  	_ =	shalt  }
0x4e: {  	_ =	shalt  }
0x4f: {  	_ =	shalt  }
0x50: {  	_ =	shalt  }
0x51: {  	_ =	shalt  }
0x52: {  	_ =	shalt  }
0x53: {  	_ =	shalt  }
0x54: {  	_ =	shalt  }
0x55: {  	_ =	shalt  }
0x56: {  	_ =	shalt  }
0x57: {  	_ =	shalt  }
0x58: {  	_ =	shalt  }
0x59: {  	_ =	shalt  }
0x5a: {  	_ =	shalt  }
0x5b: {  	_ =	shalt  }
0x5c: {  	_ =	shalt  }
0x5d: {  	_ =	shalt  }
0x5e: {  	_ =	shalt  }
0x5f: {  	_ =	shalt  }
0x60: {  	_ =	shalt  }
0x61: {  	_ =	shalt  }
0x62: {  	_ =	shalt  }
0x63: {  	_ =	shalt  }
0x64: {  	_ =	shalt  }
0x65: {  	_ =	shalt  }
0x66: {  	_ =	shalt  }
0x67: {  	_ =	shalt  }
0x68: {  	_ =	shalt  }
0x69: {  	_ =	shalt  }
0x6a: {  	_ =	shalt  }
0x6b: {  	_ =	shalt  }
0x6c: {  	_ =	shalt  }
0x6d: {  	_ =	shalt  }
0x6e: {  	_ =	shalt  }
0x6f: {  	_ =	shalt  }
0x70: {  	_ =	shalt  }
0x71: {  	_ =	shalt  }
0x72: {  	_ =	shalt  }
0x73: {  	_ =	shalt  }
0x74: {  	_ =	shalt  }
0x75: {  	_ =	shalt  }
0x76: {  	_ =	shalt  }
0x77: {  	_ =	shalt  }
0x78: {  	_ =	shalt  }
0x79: {  	_ =	shalt  }
0x7a: {  	_ =	shalt  }
0x7b: {  	_ =	shalt  }
0x7c: {  	_ =	shalt  }
0x7d: {  	_ =	shalt  }
0x7e: {  	_ =	shalt  }
0x7f: {  	_ =	shalt  }
0x80: {  	_ =	shalt  }
0x81: {  	_ =	shalt  }
0x82: {  	_ =	shalt  }
0x83: {  	_ =	shalt  }
0x84: {  	_ =	shalt  }
0x85: {  	_ =	shalt  }
0x86: {  	_ =	shalt  }
0x87: {  	_ =	shalt  }
.Lfunc_end0:
.L_simem_size_0:
called_computation_lowered:
.L_overlay_start_0:
0x88: {  	s2 =	sld [smem:$0x3FD9]  }
0x89: {  	s3 =	sld [smem:$0x3FFE];
	_ =	sdelay $0x1  }
0x8a: {  	s1 =	srdreg.scid  }
0x8b: {  	s0 =	sand.u32 $0x1, s1  }
0x8c: {  	s17 =	sshll.u32 s0, $0xA;
	s2 =	sadd.s32 s3, s2  }
0x8d: {  	s2 =	sadd.s32 s2, s17  }
0x8e: {  	[smem:$0x3FC0] =	sst s2  }
0x8f: {  	_ = 	snop  }
0x90: {  	s2 =	sld [smem:$0x3FD0];
	(tm) =	ssettm $0x1  }
0x91: {  	s18 =	sld [smem:$0x3FFB];
	_ =	sdelay $0x3  }
0x92: {  	_ =	strace s18  }
0x93: {  	s3 =	sld [smem:$0x3FFC];
	_ =	sdelay $0x3  }
0x94: {  	_ =	strace s3  }
0x95: {  	s3 =	sld [smem:$0x3FFD];
	_ =	sdelay $0x3  }
0x96: {  	_ =	strace s3  }
0x97: {  	_ =	strace $0x8FFFFFFF  }
0x98: {  	s19 =	sld [smem:$0x3FDB];
	_ =	sdelay $0x1  }
0x99: {  	s4 =	simm.s32 $_scs_section_size  }
0x9a: {  	s5 =	simm.s32 $_size__tile_overlayer_lowered;
	s6 =	simm.s32 $_tile_overlayer_lowered  }
0x9b: {  	s22 =	simm.s32 $0x1BFF;
	s21 =	sshll.u32 s6, $0x1;
	s3 =	sadd.s32 s4, s19  }
0x9c: {  	s7 =	simm.s32 $0x0;
	s20 =	sshll.u32 s5, $0x1;
	s5 =	sadd.s32 s21, s3  }
0x9d: {  	[timem:s7], [sflag:s22] =	dma.local [hbm:s5], s20  }
0x9e: {  	_ =	swait.ge [sflag:s22], s20  }
0x9f: {  	s4 =	ssub.s32 $0x0, s20;
	[sflag:s22] =	ssyncset.done $0x0  }
0xa0: {  	[sflag:s22] =	ssyncadd.s32 s4;
	_ =	sdelay $0x1  }
0xa1: {  	s23 =	simm.s32 $0x1B8B  }
0xa2: {  	_ =	swait.ge [sflag:s23], $0x1  }
0xa3: {  	[sflag:s23] =	ssyncset.done $0x0  }
0xa4: {  	s25 =	simm.s32 $0x1B8E;
	s24 =	sld [smem:$0x3FFE];
	[sflag:s23] =	ssyncadd.s32 $0xFFFFFFFF  }
0xa5: {  	s26 =	simm.s32 $execute0_lowered;
	[smem:$0x3FD2] =	sst s25  }
0xa6: {  	s5 =	sshll.u32 s26, $0x1;
	_ =	strace $0x80000046;
	[dreg:$0x1] =	wrdreg $0xFFFFFFFF  }
0xa7: {  	s28 =	simm.s32 $_size_execute0_lowered;
	s3 =	sadd.s32 s3, s5;
	[dreg:$0x0] =	wrdreg $0x0  }
0xa8: {  	s5 =	sshll.u32 s28, $0x1;
	[dreg:$0x2] =	wrdreg s3  }
0xa9: {  	[dreg:$0x3] =	wrdreg s5  }
0xaa: {  	[dreg:$0x4] =	wrdreg $0xC0  }
0xab: {  	_ =	task [dreg:s7], $0x5FFFF  }
0xac: {  	[dreg:$0x1] =	wrdreg $0xFFFFFFFF  }
0xad: {  	[dreg:$0x0] =	wrdreg $0x60  }
0xae: {  	[dreg:$0x2] =	wrdreg s24  }
0xaf: {  	[dreg:$0x3] =	wrdreg s2  }
0xb0: {  	[dreg:$0x4] =	wrdreg $0xF6800  }
0xb1: {  	[dreg:$0x5] =	wrdreg $0x9  }
0xb2: {  	_ =	task.clear_ibuf [dreg:s7], $0x6FFFF;
	_ =	strace $0x90000046  }
0xb3: {  	s29 =	simm.s32 $0x9;
	_ =	strace $0x80000048  }
0xb4: {  	_ =	swait.ge [sflag:s29], $0x1  }
0xb5: {  	[sflag:s29] =	ssyncadd.s32 $0xFFFFFFFF  }
0xb6: {  	_ =	strace $0x90000048  }
0xb7: {  	_ =	sfence  }
0xb8: {  	s30 =	sld [smem:$0x0];
	_ =	sdelay $0x2  }
0xb9: {  	s31 =	sshll.u32 s1, $0xD;
	s1 =	sshrl.u32 s1, $0x2  }
0xba: {  	s3 =	sand.u32 $0x4000, s31;
	s1 =	sadd.s32 s1, s30  }
0xbb: {  	s0 =	sor.u32 s3, s0;
	s1 =	sshll.u32 s1, $0x11  }
0xbc: {  	s0 =	sor.u32 s1, s0  }
0xbd: {  	s0 =	sadd.s32 $0x8F2B, s0  }
0xbe: {  	[sflag:s0] =	ssyncadd.remote.s32 $0x1  }
0xbf: {  	_ =	sfence.sel $0xFFFF  }
0xc0: {  	[dreg:$0x0] =	wrdreg $0xFFFFFFFF;
	(pc) =	sbr.abs _section_cstart, $3  }
0xc1: {  	[dreg:$0x1] =	wrdreg $0xFFFFFFFF  }
0xc2: {  	_ =	task.clear_ibuf [dreg:s7], $0x2FFFF;
	_ =	strace $0x9FFFFFFF  }
0xc3: {  	(tm) =	ssettm $0x7FFFFFFF  }
tec
execute0_lowered:
.L_overlay_start_1:
0x0: {  	(tag) =	ssettag $0x1  }
0x1: {  	s5 =	rddreg [dreg:$0x0]  }
0x2: {  	s7 =	rddreg [dreg:$0x1]  }
0x3: {  	s2 =	rddreg [dreg:$0x2]  }
0x4: {  	s0 =	rddreg [dreg:$0x3];
	s3 =	srdreg.scid  }
0x5: {  	s1 =	stileid.u32;
	s12 =	simm.s32 $0x2800;
	s13 =	simm.s32 $0x80  }
0x6: {  	s14 =	simm.s32 $0x5000;
	s15 =	simm.s32 $0x6800;
	s16 =	simm.s32 $0x8000  }
0x7: {  	s17 =	simm.s32 $0x1;
	s18 =	simm.s32 $0x2;
	s19 =	simm.s32 $0x4F00  }
0x8: {  	s20 =	simm.s32 $0x4F80;
	s21 =	simm.s32 $0x0;
	s4 =	sand.u32 $0x1, s3  }
0x9: {  	s6 =	sshll.u32 s1, $0x1;
	s8 =	smul.u32 $0x7680, s1;
	s3 =	simm.s32 $0x0  }
0xa: {  	s6 =	sor.u32 s4, s6;
	s9 =	smul.u32 $0x76800, s4;
	[smem:$0x7FF] =	sst s3  }
0xb: {  	s10 =	ssub.s32 $0x2, s4;
	s4 =	sadd.s32 $0x15800, s5;
	s6 =	smul.u32 $0x500, s6  }
0xc: {  	_ =	strace $0x80000047;
	s11 =	sshrl.u32 s10, $0x1;
	s31 =	sshrl.u32 s8, $0x3  }
0xd: {  	s9 =	sadd.s32 s8, s9;
	s10 =	ssub.s32 s10, s11;
	s7 =	sadd.s32 s7, s31  }
0xe: {  	s8 =	sadd.s32 s8, s2;
	s11 =	simm.s32 $0x3;
	s9 =	sshrl.u32 s9, $0x3  }
0xf: {  	s6 =	sadd.s32 s6, s5;
	s10 =	smax.u32 s10, $0x1;
	s9 =	sadd.s32 s9, s5  }
0x10: {  	s5 =	sadd.s32 $0xB800, s6;
	s6 =	sadd.s32 $0x1800, s6;
	s9 =	sadd.s32 $0x24400, s9  }
.LBB2_1:
0x11: {  	[tilespmem:s3], [sflag:$0x3] =	stream.linear.gather [hbm4b:s5+s3], $0x2800, $0x38;
	[tilespmem:$0x16D00] =	vst v63  }
0x12: {  	_ =	swait.ge [sflag:s11], $0x2800  }
0x13: {  	[sflag:s11] =	ssyncset.done $0x0  }
0x14: {  	[sflag:s11] =	ssyncadd.s32 $0xFFFFD800  }
0x15: {  	[tilespmem:s12], [sflag:$0x3] =	stream.linear.gather [hbm4b:s6+s3], $0x2800, $0x38;
	[tilespmem:$0x16D00] =	vst v63  }
0x16: {  	_ =	swait.ge [sflag:s11], $0x2800  }
0x17: {  	[sflag:s11] =	ssyncset.done $0x0  }
0x18: {  	[sflag:s11] =	ssyncadd.s32 $0xFFFFD800  }
0x19: {  	[tilespmem:s14], [sflag:$0x1] =	stream.indirect.gather [hbm4b:s4+s13], $0x30, s3, s13, $0xb8;
	[tilespmem:$0x16D00] =	vst v63  }
0x1a: {  	_ = 	snop  }
0x1b: {  	[tilespmem:s15], [sflag:$0x2] =	stream.indirect.gather [hbm4b:s4+s13], $0x30, s13, s13, $0xb8;
	[tilespmem:$0x16D00] =	vst v63  }
0x1c: {  	_ = 	snop  }
0x1d: {  	[tilespmem:s16], [sflag:$0x3] =	stream.linear.gather [hbm4b:s7+s3], $0x7680, $0x38;
	[tilespmem:$0x16D00] =	vst v63  }
0x1e: {  	_ =	swait.ge [sflag:s11], $0x7680  }
0x1f: {  	[sflag:s11] =	ssyncset.done $0x0  }
0x20: {  	[sflag:s11] =	ssyncadd.s32 $0xFFFF8980  }
0x21: {  	[spmem:s8] =	stream.linear.scatter [tilespmem:s16], [sflag:$0x3], $0x7680, $0x38;
	[tilespmem:$0x16D00] =	vst v63  }
0x22: {  	_ =	swait.ge [sflag:s11], $0x7680  }
0x23: {  	[sflag:s11] =	ssyncset.done $0x0  }
0x24: {  	[sflag:s11] =	ssyncadd.s32 $0xFFFF8980  }
0x25: {  	[bflag:$0x0] =	sbarrier.arrive $0xFFFF  }
0x26: {  	_ =	swait.ge [sflag:s17], $0x1800  }
0x27: {  	[sflag:s17] =	ssyncset.done $0x0  }
0x28: {  	s22 =	simm.s32 $0x2800;
	[sflag:s17] =	ssyncadd.s32 $0xFFFFE800  }
0x29: {  	[spmem:s2] =	stream.indirect.scatter.add.f32 [tilespmem:s14], [sflag:$0x3], $0x30, s22, s13, $0xb8;
	[tilespmem:$0x16D00] =	vst v63  }
0x2a: {  	_ =	swait.ge [sflag:s11], $0x1800  }
0x2b: {  	[sflag:s11] =	ssyncset.done $0x0  }
0x2c: {  	s30 =	simm.s32 $0x100;
	[sflag:s11] =	ssyncadd.s32 $0xFFFFE800  }
0x2d: {  	[tilespmem:s14], [sflag:$0x1] =	stream.indirect.gather [hbm4b:s4+s13], $0x30, s30, s13, $0xb8;
	[tilespmem:$0x16D00] =	vst v63  }
0x2e: {  	_ =	swait.ge [sflag:s18], $0x1800  }
0x2f: {  	[sflag:s18] =	ssyncset.done $0x0  }
0x30: {  	s31 =	simm.s32 $0x2880;
	[sflag:s18] =	ssyncadd.s32 $0xFFFFE800  }
0x31: {  	[spmem:s2] =	stream.indirect.scatter.add.f32 [tilespmem:s15], [sflag:$0x3], $0x30, s31, s13, $0xb8;
	[tilespmem:$0x16D00] =	vst v63  }
0x32: {  	_ =	swait.ge [sflag:s11], $0x1800  }
0x33: {  	[sflag:s11] =	ssyncset.done $0x0  }
0x34: {  	s23 =	simm.s32 $0x180;
	s22 =	simm.s32 $0x400;
	[sflag:s11] =	ssyncadd.s32 $0xFFFFE800  }
.LBB2_2:
0x35: {  	[tilespmem:s15], [sflag:$0x2] =	stream.indirect.gather [hbm4b:s4+s13], $0x30, s23, s13, $0xb8;
	[tilespmem:$0x16D00] =	vst v63  }
0x36: {  	s23 =	smov.u32 s22  }
0x37: {  	p0 =	sne.s32 s22, $0x9800;
	s22 =	sadd.s32 $0x400, s22;
	_ =	swait.ge [sflag:s17], $0x1800  }
0x38: {  	s23 =	sshra.s32 s23, $0x2;
	[sflag:s17] =	ssyncset.done $0x0  }
0x39: {  	s24 =	sadd.s32 $0x2800, s23;
	[sflag:s17] =	ssyncadd.s32 $0xFFFFE800  }
0x3a: {  	[spmem:s2] =	stream.indirect.scatter.add.f32 [tilespmem:s14], [sflag:$0x3], $0x30, s24, s13, $0xb8;
	[tilespmem:$0x16D00] =	vst v63  }
0x3b: {  	_ =	swait.ge [sflag:s11], $0x1800  }
0x3c: {  	[sflag:s11] =	ssyncset.done $0x0  }
0x3d: {  	s24 =	sadd.s32 $0x100, s23;
	[sflag:s11] =	ssyncadd.s32 $0xFFFFE800  }
0x3e: {  	[tilespmem:s14], [sflag:$0x1] =	stream.indirect.gather [hbm4b:s4+s13], $0x30, s24, s13, $0xb8;
	[tilespmem:$0x16D00] =	vst v63  }
0x3f: {  	_ =	swait.ge [sflag:s18], $0x1800  }
0x40: {  	[sflag:s18] =	ssyncset.done $0x0  }
.Ltmp0:
0x41: {  	s24 =	sadd.s32 $0x2880, s23;
	[sflag:s18] =	ssyncadd.s32 $0xFFFFE800;
	(pc) =	sbr.rel @p0 .LBB2_2-.Ltmp0, $4  }
0x42: {  	[spmem:s2] =	stream.indirect.scatter.add.f32 [tilespmem:s15], [sflag:$0x3], $0x30, s24, s13, $0xb8;
	[tilespmem:$0x16D00] =	vst v63  }
0x43: {  	_ =	swait.ge [sflag:s11], $0x1800  }
0x44: {  	[sflag:s11] =	ssyncset.done $0x0  }
0x45: {  	s23 =	sadd.s32 $0x180, s23;
	[sflag:s11] =	ssyncadd.s32 $0xFFFFE800  }
0x46: {  	[tilespmem:s15], [sflag:$0x2] =	stream.indirect.gather [hbm4b:s4+s13], $0x30, s23, s13, $0xb8;
	[tilespmem:$0x16D00] =	vst v63  }
0x47: {  	_ =	swait.ge [sflag:s17], $0x1800  }
0x48: {  	[sflag:s17] =	ssyncset.done $0x0  }
0x49: {  	[sflag:s17] =	ssyncadd.s32 $0xFFFFE800  }
0x4a: {  	[spmem:s2] =	stream.indirect.scatter.add.f32 [tilespmem:s14], [sflag:$0x3], $0x30, s19, s13, $0xb8;
	[tilespmem:$0x16D00] =	vst v63  }
0x4b: {  	_ =	swait.ge [sflag:s11], $0x1800  }
0x4c: {  	[sflag:s11] =	ssyncset.done $0x0  }
0x4d: {  	[sflag:s11] =	ssyncadd.s32 $0xFFFFE800  }
0x4e: {  	_ =	swait.ge [sflag:s18], $0x1800  }
0x4f: {  	[sflag:s18] =	ssyncset.done $0x0  }
0x50: {  	[sflag:s18] =	ssyncadd.s32 $0xFFFFE800  }
0x51: {  	[spmem:s2] =	stream.indirect.scatter.add.f32 [tilespmem:s15], [sflag:$0x3], $0x30, s20, s13, $0xb8;
	[tilespmem:$0x16D00] =	vst v63  }
0x52: {  	_ =	swait.ge [sflag:s11], $0x1800  }
0x53: {  	[sflag:s11] =	ssyncset.done $0x0  }
0x54: {  	[sflag:s11] =	ssyncadd.s32 $0xFFFFE800  }
0x55: {  	[bflag:$0x0] =	sbarrier.arrive $0xFFFF  }
0x56: {  	[tilespmem:s16], [sflag:$0x3] =	stream.linear.gather [spmem:s8], $0x7680, $0x38;
	[tilespmem:$0x16D00] =	vst v63  }
0x57: {  	s21 =	sadd.s32 $0x1, s21;
	_ =	swait.ge [sflag:s11], $0x7680  }
0x58: {  	p0 =	sne.s32 s21, s10;
	[sflag:s11] =	ssyncset.done $0x0  }
.Ltmp1:
0x59: {  	[sflag:s11] =	ssyncadd.s32 $0xFFFF8980;
	(pc) =	sbr.rel @p0 .LBB2_1-.Ltmp1, $4  }
0x5a: {  	[hbm4b:s9+s3] =	stream.linear.scatter [tilespmem:s16], [sflag:$0x3], $0x7680, $0x38;
	[tilespmem:$0x16D00] =	vst v63  }
0x5b: {  	_ =	swait.ge [sflag:s11], $0x7680  }
0x5c: {  	[sflag:s11] =	ssyncset.done $0x0  }
0x5d: {  	[sflag:s11] =	ssyncadd.s32 $0xFFFF8980  }
0x5e: {  	_ =	sfence.sel $0x180000  }
0x5f: {  	[bflag:$0x0] =	sbarrier.arrive $0xFFFF  }
0x60: {  	p0 =	sne.s32 s1, $0x0;
	_ =	strace $0x90000047  }
0x61: {  	s0 =	sadd.s32 @!p0 $0x100000, s0;
	[bflag:$0x2] =	sbarrier.arrive $0xFFFF  }
0x62: {  	[sflag:s0] =	ssyncadd.tile.s32 @!p0 $0x1;
	_ =	shalt  }
.Lfunc_end2:
_tile_overlayer_lowered:
.L_overlay_start_2:
0x63: {  	(tag) =	ssettag $0x2  }
0x64: {  	s0 =	rddreg [dreg:$0x0];
	s2 =	stileid.u32  }
0x65: {  	s1 =	rddreg [dreg:$0x1];
	p0 =	sne.s32 s2, $0x0  }
0x66: {  	s3 =	rddreg [dreg:$0x2];
	[bflag:$0x3] =	sbarrier.arrive $0xFFFF;
	s2 =	simm.s32 @!p0 $0x1C03  }
0x67: {  	[timem:s3], [sflag:s2] =	dma.local @!p0 [hbm:s0], s1  }
0x68: {  	s0 =	simm.s32 @!p0 $0x3  }
0x69: {  	_ =	swait.ge @!p0 [sflag:s0], s1  }
0x6a: {  	s1 =	ssub.s32 @!p0 $0x0, s1;
	[sflag:s0] =	ssyncset.done @!p0 $0x0  }
0x6b: {  	[sflag:s0] =	ssyncadd.s32 @!p0 s1  }
0x6c: {  	[bflag:$0x3] =	sbarrier.arrive $0xFFFF  }
0x6d: {  	_ =	shalt  }

</sc_bundles>
